<compile_context>
chip_gen: v7x
topology: tpu7x:2x2x1
jax: 0.10.2.dev20260603
libtpu: 0.0.44.dev20260713+nightly
codegen_flags: <defaults>
</compile_context>

<pallas_src>
import jax
import jax.numpy as jnp
from jax import lax
from jax.experimental import pallas as pl
from jax.experimental.pallas import tpu as pltpu
from jax.experimental.pallas import tpu_sc as plsc

_NUM_EMB = 1000000
_DIM = 64
_B = 16384
_L = 50

_INFO = plsc.get_sparse_core_info()
_NC = _INFO.num_cores
_NS = _INFO.num_subcores
_NW = _NC * _NS

_N = _B * _L
_NH = _N // 2
_IW = 128
_NROWS = _N // _IW
_NROWS_H = _NROWS // 2
_ROWS_PW = _NROWS_H // _NW
_K = 5
_STEPS = _ROWS_PW // _K
_CHUNK = _K * _IW


def _body(idx_hbm, table_hbm, out_hbm,
          idx0, idx1, rows0, rows1,
          sg0, sg1, sw0, sw1, si0, si1):
    idx_bufs = (idx0, idx1)
    rows_bufs = (rows0, rows1)
    sg = (sg0, sg1)
    sw = (sw0, sw1)
    si = (si0, si1)

    wid = lax.axis_index("s") * _NC + lax.axis_index("c")
    row0 = wid * _ROWS_PW

    pltpu.async_copy(idx_hbm.at[pl.ds(row0, _K)], idx0, si0)
    pltpu.async_copy(idx_hbm.at[pl.ds(row0 + _K, _K)], idx1, si1)

    def two_chunks(h, carry):
        for b in range(2):
            g = h * 2 + b
            r0 = row0 + g * _K
            pltpu.make_async_copy(
                idx_hbm.at[pl.ds(row0, _K)], idx_bufs[b], si[b]).wait()

            @pl.when(g >= 2)
            def _():
                pltpu.make_async_copy(
                    rows_bufs[b], out_hbm.at[pl.ds(r0 * _IW, _CHUNK)],
                    sw[b]).wait()

            for j in range(_K):
                pltpu.async_copy(
                    table_hbm.at[idx_bufs[b].at[j]],
                    rows_bufs[b].at[pl.ds(j * _IW, _IW)],
                    sg[b],
                )
            for j in range(_K):
                pltpu.make_async_copy(
                    table_hbm.at[idx_bufs[b].at[j]],
                    rows_bufs[b].at[pl.ds(j * _IW, _IW)],
                    sg[b],
                ).wait()

            @pl.when(g + 2 < _STEPS)
            def _():
                pltpu.async_copy(
                    idx_hbm.at[pl.ds(r0 + 2 * _K, _K)], idx_bufs[b], si[b])

            pltpu.async_copy(
                rows_bufs[b], out_hbm.at[pl.ds(r0 * _IW, _CHUNK)], sw[b])
        return carry

    lax.fori_loop(0, _STEPS // 2, two_chunks, 0)

    for b in range(2):
        pltpu.make_async_copy(
            rows_bufs[b], out_hbm.at[pl.ds(row0 * _IW, _CHUNK)], sw[b]).wait()


_mesh = plsc.VectorSubcoreMesh(core_axis_name="c", subcore_axis_name="s")

_gather = pl.kernel(
    _body,
    out_type=jax.ShapeDtypeStruct((_NH, _DIM), jnp.float32),
    mesh=_mesh,
    scratch_types=[
        pltpu.VMEM((_K, _IW), jnp.int32),
        pltpu.VMEM((_K, _IW), jnp.int32),
        pltpu.VMEM((_CHUNK, _DIM), jnp.float32),
        pltpu.VMEM((_CHUNK, _DIM), jnp.float32),
        pltpu.SemaphoreType.DMA,
        pltpu.SemaphoreType.DMA,
        pltpu.SemaphoreType.DMA,
        pltpu.SemaphoreType.DMA,
        pltpu.SemaphoreType.DMA,
        pltpu.SemaphoreType.DMA,
    ],
    compiler_params=pltpu.CompilerParams(
        use_tc_tiling_on_sc=False, disable_bounds_checks=True),
)


@jax.jit
def kernel(indices, table):
    idx2d = indices.reshape(_NROWS, _IW)
    lo = _gather(idx2d[:_NROWS_H], table)
    hi = _gather(idx2d[_NROWS_H:], table)
    out = jnp.concatenate([lo, hi], axis=0)
    return out.reshape(_B, _L, _DIM)

# --- scband reference (transcript-rebuilt; emitter-appended) ---
"""Pipeline reference for scband-model-44014824849408 (READ-ONLY COPY).

The authoritative reference and input builder live on the scoring server;
editing this copy changes nothing except your own understanding.
"""

import jax, jax.numpy as jnp
import numpy as np

NUM_EMB = 1000000
DIM = 64
B = 16384
L = 50


def setup_inputs(seed: int = 0) -> dict:
    key = jax.random.key(seed)
    k1, k2 = jax.random.split(key)
    table = jax.random.normal(k1, (NUM_EMB, DIM), dtype=jnp.float32)
    indices = jax.random.randint(k2, (B, L), 0, NUM_EMB, dtype=jnp.int32)
    return {"indices": indices, "table": table}


def reference(indices, table):
    # FixedEmbedding.forward: nn.Embedding lookup, then detach_(), then
    # F.dropout(out, p, self.training). In eval mode dropout is identity.
    out = jnp.take(table, indices, axis=0)
    out = jax.lax.stop_gradient(out)  # detach_()
    return out

if __name__ == "__main__":
    import jax
    _d = setup_inputs()
    print(jax.jit(kernel)(*tuple(_d.values())))

</pallas_src>

<mosaic_0001>
#map = affine_map<(d0, d1) -> (0, 0)>
module attributes {stable_mosaic.version = 14 : i64} {
  func.func @_body(%arg0: i32, %arg1: i32, %arg2: memref<3200x128xi32, #tpu.memory_space<hbm>>, %arg3: memref<1000000x64xf32, #tpu.memory_space<hbm>>, %arg4: memref<409600x64xf32, #tpu.memory_space<hbm>>, %arg5: memref<5x128xi32, #tpu.memory_space<vmem>>, %arg6: memref<5x128xi32, #tpu.memory_space<vmem>>, %arg7: memref<640x64xf32, #tpu.memory_space<vmem>>, %arg8: memref<640x64xf32, #tpu.memory_space<vmem>>, %arg9: memref<!tpu.dma_semaphore, #tpu.memory_space<semaphore_mem>>, %arg10: memref<!tpu.dma_semaphore, #tpu.memory_space<semaphore_mem>>, %arg11: memref<!tpu.dma_semaphore, #tpu.memory_space<semaphore_mem>>, %arg12: memref<!tpu.dma_semaphore, #tpu.memory_space<semaphore_mem>>, %arg13: memref<!tpu.dma_semaphore, #tpu.memory_space<semaphore_mem>>, %arg14: memref<!tpu.dma_semaphore, #tpu.memory_space<semaphore_mem>>) attributes {dimension_semantics = [#tpu.dimension_semantics<core_parallel>, #tpu.dimension_semantics<subcore_parallel>], iteration_bounds = array<i64: 2, 16>, scalar_prefetch = 0 : i64, scratch_operands = 10 : i64, tpu.core_type = #tpu.core_type<sc_vector_subcore>, window_params = [{transform_indices = #map}, {transform_indices = #map}, {transform_indices = #map}]} {
    %mul3A = arith.constant 2 : i32
    %mul3A_0 = arith.muli %arg1, %mul3A : i32
    %add3A = arith.addi %mul3A_0, %arg0 : i32
    %mul3A_1 = arith.constant 100 : i32
    %mul3A_2 = arith.muli %add3A, %mul3A_1 : i32
    %dma_start3A = arith.constant 0 : i32
    %dma_start3A_3 = tpu.memref_slice %arg2[%mul3A_2, %dma_start3A] : memref<3200x128xi32, #tpu.memory_space<hbm>> -> memref<5x128xi32, #tpu.memory_space<hbm>>
    %dma_start3A_4 = arith.constant 0 : i32
    %dma_start3A_5 = tpu.memref_slice %arg2[%mul3A_2, %dma_start3A_4] : memref<3200x128xi32, #tpu.memory_space<hbm>> -> memref<5x128xi32, #tpu.memory_space<hbm>>
    tpu.enqueue_dma source(%dma_start3A_5 : memref<5x128xi32, #tpu.memory_space<hbm>>) target(%arg5 : memref<5x128xi32, #tpu.memory_space<vmem>>) target_semaphore(%arg13 : memref<!tpu.dma_semaphore, #tpu.memory_space<semaphore_mem>>)
    %add3A_6 = arith.constant 5 : i32
    %add3A_7 = arith.addi %mul3A_2, %add3A_6 : i32
    %dma_start3A_8 = arith.constant 0 : i32
    %dma_start3A_9 = tpu.memref_slice %arg2[%add3A_7, %dma_start3A_8] : memref<3200x128xi32, #tpu.memory_space<hbm>> -> memref<5x128xi32, #tpu.memory_space<hbm>>
    %dma_start3A_10 = arith.constant 0 : i32
    %dma_start3A_11 = tpu.memref_slice %arg2[%add3A_7, %dma_start3A_10] : memref<3200x128xi32, #tpu.memory_space<hbm>> -> memref<5x128xi32, #tpu.memory_space<hbm>>
    tpu.enqueue_dma source(%dma_start3A_11 : memref<5x128xi32, #tpu.memory_space<hbm>>) target(%arg6 : memref<5x128xi32, #tpu.memory_space<vmem>>) target_semaphore(%arg14 : memref<!tpu.dma_semaphore, #tpu.memory_space<semaphore_mem>>)
    %scan3A = arith.constant 0 : i32
    %scan3A_12 = arith.constant 0 : i32
    %scan3A_13 = arith.constant 10 : i32
    %scan3A_14 = arith.addi %scan3A_12, %scan3A_13 : i32
    %scan3A_15 = arith.constant 1 : i32
    scf.for %scan3A_28 = %scan3A_12 to %scan3A_14 step %scan3A_15  : i32 {
      %mul3A_29 = arith.constant 2 : i32
      %mul3A_30 = arith.muli %scan3A_28, %mul3A_29 : i32
      %add3A_31 = arith.constant 0 : i32
      %add3A_32 = arith.addi %mul3A_30, %add3A_31 : i32
      %mul3A_33 = arith.constant 5 : i32
      %mul3A_34 = arith.muli %add3A_32, %mul3A_33 : i32
      %add3A_35 = arith.addi %mul3A_2, %mul3A_34 : i32
      %dma_wait3A_36 = arith.constant 0 : i32
      %dma_wait3A_37 = tpu.memref_slice %arg2[%mul3A_2, %dma_wait3A_36] : memref<3200x128xi32, #tpu.memory_space<hbm>> -> memref<5x128xi32, #tpu.memory_space<hbm>>
      %dma_wait3A_38 = arith.constant 0 : i32
      %dma_wait3A_39 = tpu.memref_slice %arg2[%mul3A_2, %dma_wait3A_38] : memref<3200x128xi32, #tpu.memory_space<hbm>> -> memref<5x128xi32, #tpu.memory_space<hbm>>
      tpu.wait_dma2 semaphore(%arg13 : memref<!tpu.dma_semaphore, #tpu.memory_space<semaphore_mem>>) src(%dma_wait3A_39 : memref<5x128xi32, #tpu.memory_space<hbm>>) dst(%arg5 : memref<5x128xi32, #tpu.memory_space<vmem>>)
      %ge3A = arith.constant 2 : i32
      %ge3A_40 = arith.cmpi sge, %add3A_32, %ge3A : i32
      %convert_element_type3A = arith.extui %ge3A_40 : i1 to i32
      %cond3A = arith.constant 0 : i32
      %cond3A_41 = arith.cmpi ne, %convert_element_type3A, %cond3A : i32
      scf.if %cond3A_41 {
        %mul3A_283 = arith.constant 128 : i32
        %mul3A_284 = arith.muli %add3A_35, %mul3A_283 : i32
        %dma_wait3A_285 = arith.constant 0 : i32
        %dma_wait3A_286 = tpu.memref_slice %arg4[%mul3A_284, %dma_wait3A_285] : memref<409600x64xf32, #tpu.memory_space<hbm>> -> memref<640x64xf32, #tpu.memory_space<hbm>>
        %dma_wait3A_287 = arith.constant 0 : i32
        %dma_wait3A_288 = tpu.memref_slice %arg4[%mul3A_284, %dma_wait3A_287] : memref<409600x64xf32, #tpu.memory_space<hbm>> -> memref<640x64xf32, #tpu.memory_space<hbm>>
        tpu.wait_dma2 semaphore(%arg11 : memref<!tpu.dma_semaphore, #tpu.memory_space<semaphore_mem>>) src(%arg7 : memref<640x64xf32, #tpu.memory_space<vmem>>) dst(%dma_wait3A_288 : memref<640x64xf32, #tpu.memory_space<hbm>>)
      } else {
      }
      %dma_start3A_42 = arith.constant 0 : i32
      %dma_start3A_43 = arith.constant 0 : i32
      %dma_start3A_44 = arith.constant 0 : i32
      %dma_start3A_45 = tpu.memref_slice %arg7[%dma_start3A_43, %dma_start3A_44] : memref<640x64xf32, #tpu.memory_space<vmem>> -> memref<128x64xf32, #tpu.memory_space<vmem>>
      %dma_start3A_46 = arith.constant 0 : i32
      %dma_start3A_47 = tpu.memref_slice %arg5[%dma_start3A_42, %dma_start3A_46] : memref<5x128xi32, #tpu.memory_space<vmem>> -> memref<1x128xi32, #tpu.memory_space<vmem>>
      %dma_start3A_48 = tpu.memref_squeeze %dma_start3A_47 : memref<1x128xi32, #tpu.memory_space<vmem>> -> memref<128xi32, #tpu.memory_space<vmem>>
      %dma_start3A_49 = arith.constant 0 : i32
      %dma_start3A_50 = arith.constant 0 : i32
      %dma_start3A_51 = tpu.memref_slice %arg3[%dma_start3A_49, %dma_start3A_50] : memref<1000000x64xf32, #tpu.memory_space<hbm>> -> memref<1000000x64xf32, #tpu.memory_space<hbm>>
      tpu.enqueue_indirect_dma source(%dma_start3A_51 : memref<1000000x64xf32, #tpu.memory_space<hbm>>) target(%dma_start3A_45 : memref<128x64xf32, #tpu.memory_space<vmem>>) offsets(%dma_start3A_48 : memref<128xi32, #tpu.memory_space<vmem>>) semaphore(%arg9 : memref<!tpu.dma_semaphore, #tpu.memory_space<semaphore_mem>>)
      %dma_start3A_52 = arith.constant 1 : i32
      %dma_start3A_53 = arith.constant 128 : i32
      %dma_start3A_54 = arith.constant 0 : i32
      %dma_start3A_55 = tpu.memref_slice %arg7[%dma_start3A_53, %dma_start3A_54] : memref<640x64xf32, #tpu.memory_space<vmem>> -> memref<128x64xf32, #tpu.memory_space<vmem>>
      %dma_start3A_56 = arith.constant 0 : i32
      %dma_start3A_57 = tpu.memref_slice %arg5[%dma_start3A_52, %dma_start3A_56] : memref<5x128xi32, #tpu.memory_space<vmem>> -> memref<1x128xi32, #tpu.memory_space<vmem>>
      %dma_start3A_58 = tpu.memref_squeeze %dma_start3A_57 : memref<1x128xi32, #tpu.memory_space<vmem>> -> memref<128xi32, #tpu.memory_space<vmem>>
      %dma_start3A_59 = arith.constant 0 : i32
      %dma_start3A_60 = arith.constant 0 : i32
      %dma_start3A_61 = tpu.memref_slice %arg3[%dma_start3A_59, %dma_start3A_60] : memref<1000000x64xf32, #tpu.memory_space<hbm>> -> memref<1000000x64xf32, #tpu.memory_space<hbm>>
      tpu.enqueue_indirect_dma source(%dma_start3A_61 : memref<1000000x64xf32, #tpu.memory_space<hbm>>) target(%dma_start3A_55 : memref<128x64xf32, #tpu.memory_space<vmem>>) offsets(%dma_start3A_58 : memref<128xi32, #tpu.memory_space<vmem>>) semaphore(%arg9 : memref<!tpu.dma_semaphore, #tpu.memory_space<semaphore_mem>>)
      %dma_start3A_62 = arith.constant 2 : i32
      %dma_start3A_63 = arith.constant 256 : i32
      %dma_start3A_64 = arith.constant 0 : i32
      %dma_start3A_65 = tpu.memref_slice %arg7[%dma_start3A_63, %dma_start3A_64] : memref<640x64xf32, #tpu.memory_space<vmem>> -> memref<128x64xf32, #tpu.memory_space<vmem>>
      %dma_start3A_66 = arith.constant 0 : i32
      %dma_start3A_67 = tpu.memref_slice %arg5[%dma_start3A_62, %dma_start3A_66] : memref<5x128xi32, #tpu.memory_space<vmem>> -> memref<1x128xi32, #tpu.memory_space<vmem>>
      %dma_start3A_68 = tpu.memref_squeeze %dma_start3A_67 : memref<1x128xi32, #tpu.memory_space<vmem>> -> memref<128xi32, #tpu.memory_space<vmem>>
      %dma_start3A_69 = arith.constant 0 : i32
      %dma_start3A_70 = arith.constant 0 : i32
      %dma_start3A_71 = tpu.memref_slice %arg3[%dma_start3A_69, %dma_start3A_70] : memref<1000000x64xf32, #tpu.memory_space<hbm>> -> memref<1000000x64xf32, #tpu.memory_space<hbm>>
      tpu.enqueue_indirect_dma source(%dma_start3A_71 : memref<1000000x64xf32, #tpu.memory_space<hbm>>) target(%dma_start3A_65 : memref<128x64xf32, #tpu.memory_space<vmem>>) offsets(%dma_start3A_68 : memref<128xi32, #tpu.memory_space<vmem>>) semaphore(%arg9 : memref<!tpu.dma_semaphore, #tpu.memory_space<semaphore_mem>>)
      %dma_start3A_72 = arith.constant 3 : i32
      %dma_start3A_73 = arith.constant 384 : i32
      %dma_start3A_74 = arith.constant 0 : i32
      %dma_start3A_75 = tpu.memref_slice %arg7[%dma_start3A_73, %dma_start3A_74] : memref<640x64xf32, #tpu.memory_space<vmem>> -> memref<128x64xf32, #tpu.memory_space<vmem>>
      %dma_start3A_76 = arith.constant 0 : i32
      %dma_start3A_77 = tpu.memref_slice %arg5[%dma_start3A_72, %dma_start3A_76] : memref<5x128xi32, #tpu.memory_space<vmem>> -> memref<1x128xi32, #tpu.memory_space<vmem>>
      %dma_start3A_78 = tpu.memref_squeeze %dma_start3A_77 : memref<1x128xi32, #tpu.memory_space<vmem>> -> memref<128xi32, #tpu.memory_space<vmem>>
      %dma_start3A_79 = arith.constant 0 : i32
      %dma_start3A_80 = arith.constant 0 : i32
      %dma_start3A_81 = tpu.memref_slice %arg3[%dma_start3A_79, %dma_start3A_80] : memref<1000000x64xf32, #tpu.memory_space<hbm>> -> memref<1000000x64xf32, #tpu.memory_space<hbm>>
      tpu.enqueue_indirect_dma source(%dma_start3A_81 : memref<1000000x64xf32, #tpu.memory_space<hbm>>) target(%dma_start3A_75 : memref<128x64xf32, #tpu.memory_space<vmem>>) offsets(%dma_start3A_78 : memref<128xi32, #tpu.memory_space<vmem>>) semaphore(%arg9 : memref<!tpu.dma_semaphore, #tpu.memory_space<semaphore_mem>>)
      %dma_start3A_82 = arith.constant 4 : i32
      %dma_start3A_83 = arith.constant 512 : i32
      %dma_start3A_84 = arith.constant 0 : i32
      %dma_start3A_85 = tpu.memref_slice %arg7[%dma_start3A_83, %dma_start3A_84] : memref<640x64xf32, #tpu.memory_space<vmem>> -> memref<128x64xf32, #tpu.memory_space<vmem>>
      %dma_start3A_86 = arith.constant 0 : i32
      %dma_start3A_87 = tpu.memref_slice %arg5[%dma_start3A_82, %dma_start3A_86] : memref<5x128xi32, #tpu.memory_space<vmem>> -> memref<1x128xi32, #tpu.memory_space<vmem>>
      %dma_start3A_88 = tpu.memref_squeeze %dma_start3A_87 : memref<1x128xi32, #tpu.memory_space<vmem>> -> memref<128xi32, #tpu.memory_space<vmem>>
      %dma_start3A_89 = arith.constant 0 : i32
      %dma_start3A_90 = arith.constant 0 : i32
      %dma_start3A_91 = tpu.memref_slice %arg3[%dma_start3A_89, %dma_start3A_90] : memref<1000000x64xf32, #tpu.memory_space<hbm>> -> memref<1000000x64xf32, #tpu.memory_space<hbm>>
      tpu.enqueue_indirect_dma source(%dma_start3A_91 : memref<1000000x64xf32, #tpu.memory_space<hbm>>) target(%dma_start3A_85 : memref<128x64xf32, #tpu.memory_space<vmem>>) offsets(%dma_start3A_88 : memref<128xi32, #tpu.memory_space<vmem>>) semaphore(%arg9 : memref<!tpu.dma_semaphore, #tpu.memory_space<semaphore_mem>>)
      %dma_wait3A_92 = arith.constant 0 : i32
      %dma_wait3A_93 = arith.constant 0 : i32
      %dma_wait3A_94 = arith.constant 0 : i32
      %dma_wait3A_95 = tpu.memref_slice %arg7[%dma_wait3A_93, %dma_wait3A_94] : memref<640x64xf32, #tpu.memory_space<vmem>> -> memref<128x64xf32, #tpu.memory_space<vmem>>
      %dma_wait3A_96 = arith.constant 0 : i32
      %dma_wait3A_97 = tpu.memref_slice %arg5[%dma_wait3A_92, %dma_wait3A_96] : memref<5x128xi32, #tpu.memory_space<vmem>> -> memref<1x128xi32, #tpu.memory_space<vmem>>
      %dma_wait3A_98 = tpu.memref_squeeze %dma_wait3A_97 : memref<1x128xi32, #tpu.memory_space<vmem>> -> memref<128xi32, #tpu.memory_space<vmem>>
      %dma_wait3A_99 = arith.constant 0 : i32
      %dma_wait3A_100 = arith.constant 0 : i32
      %dma_wait3A_101 = tpu.memref_slice %arg3[%dma_wait3A_99, %dma_wait3A_100] : memref<1000000x64xf32, #tpu.memory_space<hbm>> -> memref<1000000x64xf32, #tpu.memory_space<hbm>>
      tpu.wait_indirect_dma semaphore(%arg9 : memref<!tpu.dma_semaphore, #tpu.memory_space<semaphore_mem>>) src(%dma_wait3A_101 : memref<1000000x64xf32, #tpu.memory_space<hbm>>) dst(%dma_wait3A_95 : memref<128x64xf32, #tpu.memory_space<vmem>>)
      %dma_wait3A_102 = arith.constant 1 : i32
      %dma_wait3A_103 = arith.constant 128 : i32
      %dma_wait3A_104 = arith.constant 0 : i32
      %dma_wait3A_105 = tpu.memref_slice %arg7[%dma_wait3A_103, %dma_wait3A_104] : memref<640x64xf32, #tpu.memory_space<vmem>> -> memref<128x64xf32, #tpu.memory_space<vmem>>
      %dma_wait3A_106 = arith.constant 0 : i32
      %dma_wait3A_107 = tpu.memref_slice %arg5[%dma_wait3A_102, %dma_wait3A_106] : memref<5x128xi32, #tpu.memory_space<vmem>> -> memref<1x128xi32, #tpu.memory_space<vmem>>
      %dma_wait3A_108 = tpu.memref_squeeze %dma_wait3A_107 : memref<1x128xi32, #tpu.memory_space<vmem>> -> memref<128xi32, #tpu.memory_space<vmem>>
      %dma_wait3A_109 = arith.constant 0 : i32
      %dma_wait3A_110 = arith.constant 0 : i32
      %dma_wait3A_111 = tpu.memref_slice %arg3[%dma_wait3A_109, %dma_wait3A_110] : memref<1000000x64xf32, #tpu.memory_space<hbm>> -> memref<1000000x64xf32, #tpu.memory_space<hbm>>
      tpu.wait_indirect_dma semaphore(%arg9 : memref<!tpu.dma_semaphore, #tpu.memory_space<semaphore_mem>>) src(%dma_wait3A_111 : memref<1000000x64xf32, #tpu.memory_space<hbm>>) dst(%dma_wait3A_105 : memref<128x64xf32, #tpu.memory_space<vmem>>)
      %dma_wait3A_112 = arith.constant 2 : i32
      %dma_wait3A_113 = arith.constant 256 : i32
      %dma_wait3A_114 = arith.constant 0 : i32
      %dma_wait3A_115 = tpu.memref_slice %arg7[%dma_wait3A_113, %dma_wait3A_114] : memref<640x64xf32, #tpu.memory_space<vmem>> -> memref<128x64xf32, #tpu.memory_space<vmem>>
      %dma_wait3A_116 = arith.constant 0 : i32
      %dma_wait3A_117 = tpu.memref_slice %arg5[%dma_wait3A_112, %dma_wait3A_116] : memref<5x128xi32, #tpu.memory_space<vmem>> -> memref<1x128xi32, #tpu.memory_space<vmem>>
      %dma_wait3A_118 = tpu.memref_squeeze %dma_wait3A_117 : memref<1x128xi32, #tpu.memory_space<vmem>> -> memref<128xi32, #tpu.memory_space<vmem>>
      %dma_wait3A_119 = arith.constant 0 : i32
      %dma_wait3A_120 = arith.constant 0 : i32
      %dma_wait3A_121 = tpu.memref_slice %arg3[%dma_wait3A_119, %dma_wait3A_120] : memref<1000000x64xf32, #tpu.memory_space<hbm>> -> memref<1000000x64xf32, #tpu.memory_space<hbm>>
      tpu.wait_indirect_dma semaphore(%arg9 : memref<!tpu.dma_semaphore, #tpu.memory_space<semaphore_mem>>) src(%dma_wait3A_121 : memref<1000000x64xf32, #tpu.memory_space<hbm>>) dst(%dma_wait3A_115 : memref<128x64xf32, #tpu.memory_space<vmem>>)
      %dma_wait3A_122 = arith.constant 3 : i32
      %dma_wait3A_123 = arith.constant 384 : i32
      %dma_wait3A_124 = arith.constant 0 : i32
      %dma_wait3A_125 = tpu.memref_slice %arg7[%dma_wait3A_123, %dma_wait3A_124] : memref<640x64xf32, #tpu.memory_space<vmem>> -> memref<128x64xf32, #tpu.memory_space<vmem>>
      %dma_wait3A_126 = arith.constant 0 : i32
      %dma_wait3A_127 = tpu.memref_slice %arg5[%dma_wait3A_122, %dma_wait3A_126] : memref<5x128xi32, #tpu.memory_space<vmem>> -> memref<1x128xi32, #tpu.memory_space<vmem>>
      %dma_wait3A_128 = tpu.memref_squeeze %dma_wait3A_127 : memref<1x128xi32, #tpu.memory_space<vmem>> -> memref<128xi32, #tpu.memory_space<vmem>>
      %dma_wait3A_129 = arith.constant 0 : i32
      %dma_wait3A_130 = arith.constant 0 : i32
      %dma_wait3A_131 = tpu.memref_slice %arg3[%dma_wait3A_129, %dma_wait3A_130] : memref<1000000x64xf32, #tpu.memory_space<hbm>> -> memref<1000000x64xf32, #tpu.memory_space<hbm>>
      tpu.wait_indirect_dma semaphore(%arg9 : memref<!tpu.dma_semaphore, #tpu.memory_space<semaphore_mem>>) src(%dma_wait3A_131 : memref<1000000x64xf32, #tpu.memory_space<hbm>>) dst(%dma_wait3A_125 : memref<128x64xf32, #tpu.memory_space<vmem>>)
      %dma_wait3A_132 = arith.constant 4 : i32
      %dma_wait3A_133 = arith.constant 512 : i32
      %dma_wait3A_134 = arith.constant 0 : i32
      %dma_wait3A_135 = tpu.memref_slice %arg7[%dma_wait3A_133, %dma_wait3A_134] : memref<640x64xf32, #tpu.memory_space<vmem>> -> memref<128x64xf32, #tpu.memory_space<vmem>>
      %dma_wait3A_136 = arith.constant 0 : i32
      %dma_wait3A_137 = tpu.memref_slice %arg5[%dma_wait3A_132, %dma_wait3A_136] : memref<5x128xi32, #tpu.memory_space<vmem>> -> memref<1x128xi32, #tpu.memory_space<vmem>>
      %dma_wait3A_138 = tpu.memref_squeeze %dma_wait3A_137 : memref<1x128xi32, #tpu.memory_space<vmem>> -> memref<128xi32, #tpu.memory_space<vmem>>
      %dma_wait3A_139 = arith.constant 0 : i32
      %dma_wait3A_140 = arith.constant 0 : i32
      %dma_wait3A_141 = tpu.memref_slice %arg3[%dma_wait3A_139, %dma_wait3A_140] : memref<1000000x64xf32, #tpu.memory_space<hbm>> -> memref<1000000x64xf32, #tpu.memory_space<hbm>>
      tpu.wait_indirect_dma semaphore(%arg9 : memref<!tpu.dma_semaphore, #tpu.memory_space<semaphore_mem>>) src(%dma_wait3A_141 : memref<1000000x64xf32, #tpu.memory_space<hbm>>) dst(%dma_wait3A_135 : memref<128x64xf32, #tpu.memory_space<vmem>>)
      %add3A_142 = arith.constant 2 : i32
      %add3A_143 = arith.addi %add3A_32, %add3A_142 : i32
      %lt3A = arith.constant 20 : i32
      %lt3A_144 = arith.cmpi slt, %add3A_143, %lt3A : i32
      %convert_element_type3A_145 = arith.extui %lt3A_144 : i1 to i32
      %cond3A_146 = arith.constant 0 : i32
      %cond3A_147 = arith.cmpi ne, %convert_element_type3A_145, %cond3A_146 : i32
      scf.if %cond3A_147 {
        %add3A_283 = arith.constant 10 : i32
        %add3A_284 = arith.addi %add3A_35, %add3A_283 : i32
        %dma_start3A_285 = arith.constant 0 : i32
        %dma_start3A_286 = tpu.memref_slice %arg2[%add3A_284, %dma_start3A_285] : memref<3200x128xi32, #tpu.memory_space<hbm>> -> memref<5x128xi32, #tpu.memory_space<hbm>>
        %dma_start3A_287 = arith.constant 0 : i32
        %dma_start3A_288 = tpu.memref_slice %arg2[%add3A_284, %dma_start3A_287] : memref<3200x128xi32, #tpu.memory_space<hbm>> -> memref<5x128xi32, #tpu.memory_space<hbm>>
        tpu.enqueue_dma source(%dma_start3A_288 : memref<5x128xi32, #tpu.memory_space<hbm>>) target(%arg5 : memref<5x128xi32, #tpu.memory_space<vmem>>) target_semaphore(%arg13 : memref<!tpu.dma_semaphore, #tpu.memory_space<semaphore_mem>>)
      } else {
      }
      %mul3A_148 = arith.constant 128 : i32
      %mul3A_149 = arith.muli %add3A_35, %mul3A_148 : i32
      %dma_start3A_150 = arith.constant 0 : i32
      %dma_start3A_151 = tpu.memref_slice %arg4[%mul3A_149, %dma_start3A_150] : memref<409600x64xf32, #tpu.memory_space<hbm>> -> memref<640x64xf32, #tpu.memory_space<hbm>>
      %dma_start3A_152 = arith.constant 0 : i32
      %dma_start3A_153 = tpu.memref_slice %arg4[%mul3A_149, %dma_start3A_152] : memref<409600x64xf32, #tpu.memory_space<hbm>> -> memref<640x64xf32, #tpu.memory_space<hbm>>
      tpu.enqueue_dma source(%arg7 : memref<640x64xf32, #tpu.memory_space<vmem>>) target(%dma_start3A_153 : memref<640x64xf32, #tpu.memory_space<hbm>>) target_semaphore(%arg11 : memref<!tpu.dma_semaphore, #tpu.memory_space<semaphore_mem>>)
      %mul3A_154 = arith.constant 2 : i32
      %mul3A_155 = arith.muli %scan3A_28, %mul3A_154 : i32
      %add3A_156 = arith.constant 1 : i32
      %add3A_157 = arith.addi %mul3A_155, %add3A_156 : i32
      %mul3A_158 = arith.constant 5 : i32
      %mul3A_159 = arith.muli %add3A_157, %mul3A_158 : i32
      %add3A_160 = arith.addi %mul3A_2, %mul3A_159 : i32
      %dma_wait3A_161 = arith.constant 0 : i32
      %dma_wait3A_162 = tpu.memref_slice %arg2[%mul3A_2, %dma_wait3A_161] : memref<3200x128xi32, #tpu.memory_space<hbm>> -> memref<5x128xi32, #tpu.memory_space<hbm>>
      %dma_wait3A_163 = arith.constant 0 : i32
      %dma_wait3A_164 = tpu.memref_slice %arg2[%mul3A_2, %dma_wait3A_163] : memref<3200x128xi32, #tpu.memory_space<hbm>> -> memref<5x128xi32, #tpu.memory_space<hbm>>
      tpu.wait_dma2 semaphore(%arg14 : memref<!tpu.dma_semaphore, #tpu.memory_space<semaphore_mem>>) src(%dma_wait3A_164 : memref<5x128xi32, #tpu.memory_space<hbm>>) dst(%arg6 : memref<5x128xi32, #tpu.memory_space<vmem>>)
      %ge3A_165 = arith.constant 2 : i32
      %ge3A_166 = arith.cmpi sge, %add3A_157, %ge3A_165 : i32
      %convert_element_type3A_167 = arith.extui %ge3A_166 : i1 to i32
      %cond3A_168 = arith.constant 0 : i32
      %cond3A_169 = arith.cmpi ne, %convert_element_type3A_167, %cond3A_168 : i32
      scf.if %cond3A_169 {
        %mul3A_283 = arith.constant 128 : i32
        %mul3A_284 = arith.muli %add3A_160, %mul3A_283 : i32
        %dma_wait3A_285 = arith.constant 0 : i32
        %dma_wait3A_286 = tpu.memref_slice %arg4[%mul3A_284, %dma_wait3A_285] : memref<409600x64xf32, #tpu.memory_space<hbm>> -> memref<640x64xf32, #tpu.memory_space<hbm>>
        %dma_wait3A_287 = arith.constant 0 : i32
        %dma_wait3A_288 = tpu.memref_slice %arg4[%mul3A_284, %dma_wait3A_287] : memref<409600x64xf32, #tpu.memory_space<hbm>> -> memref<640x64xf32, #tpu.memory_space<hbm>>
        tpu.wait_dma2 semaphore(%arg12 : memref<!tpu.dma_semaphore, #tpu.memory_space<semaphore_mem>>) src(%arg8 : memref<640x64xf32, #tpu.memory_space<vmem>>) dst(%dma_wait3A_288 : memref<640x64xf32, #tpu.memory_space<hbm>>)
      } else {
      }
      %dma_start3A_170 = arith.constant 0 : i32
      %dma_start3A_171 = arith.constant 0 : i32
      %dma_start3A_172 = arith.constant 0 : i32
      %dma_start3A_173 = tpu.memref_slice %arg8[%dma_start3A_171, %dma_start3A_172] : memref<640x64xf32, #tpu.memory_space<vmem>> -> memref<128x64xf32, #tpu.memory_space<vmem>>
      %dma_start3A_174 = arith.constant 0 : i32
      %dma_start3A_175 = tpu.memref_slice %arg6[%dma_start3A_170, %dma_start3A_174] : memref<5x128xi32, #tpu.memory_space<vmem>> -> memref<1x128xi32, #tpu.memory_space<vmem>>
      %dma_start3A_176 = tpu.memref_squeeze %dma_start3A_175 : memref<1x128xi32, #tpu.memory_space<vmem>> -> memref<128xi32, #tpu.memory_space<vmem>>
      %dma_start3A_177 = arith.constant 0 : i32
      %dma_start3A_178 = arith.constant 0 : i32
      %dma_start3A_179 = tpu.memref_slice %arg3[%dma_start3A_177, %dma_start3A_178] : memref<1000000x64xf32, #tpu.memory_space<hbm>> -> memref<1000000x64xf32, #tpu.memory_space<hbm>>
      tpu.enqueue_indirect_dma source(%dma_start3A_179 : memref<1000000x64xf32, #tpu.memory_space<hbm>>) target(%dma_start3A_173 : memref<128x64xf32, #tpu.memory_space<vmem>>) offsets(%dma_start3A_176 : memref<128xi32, #tpu.memory_space<vmem>>) semaphore(%arg10 : memref<!tpu.dma_semaphore, #tpu.memory_space<semaphore_mem>>)
      %dma_start3A_180 = arith.constant 1 : i32
      %dma_start3A_181 = arith.constant 128 : i32
      %dma_start3A_182 = arith.constant 0 : i32
      %dma_start3A_183 = tpu.memref_slice %arg8[%dma_start3A_181, %dma_start3A_182] : memref<640x64xf32, #tpu.memory_space<vmem>> -> memref<128x64xf32, #tpu.memory_space<vmem>>
      %dma_start3A_184 = arith.constant 0 : i32
      %dma_start3A_185 = tpu.memref_slice %arg6[%dma_start3A_180, %dma_start3A_184] : memref<5x128xi32, #tpu.memory_space<vmem>> -> memref<1x128xi32, #tpu.memory_space<vmem>>
      %dma_start3A_186 = tpu.memref_squeeze %dma_start3A_185 : memref<1x128xi32, #tpu.memory_space<vmem>> -> memref<128xi32, #tpu.memory_space<vmem>>
      %dma_start3A_187 = arith.constant 0 : i32
      %dma_start3A_188 = arith.constant 0 : i32
      %dma_start3A_189 = tpu.memref_slice %arg3[%dma_start3A_187, %dma_start3A_188] : memref<1000000x64xf32, #tpu.memory_space<hbm>> -> memref<1000000x64xf32, #tpu.memory_space<hbm>>
      tpu.enqueue_indirect_dma source(%dma_start3A_189 : memref<1000000x64xf32, #tpu.memory_space<hbm>>) target(%dma_start3A_183 : memref<128x64xf32, #tpu.memory_space<vmem>>) offsets(%dma_start3A_186 : memref<128xi32, #tpu.memory_space<vmem>>) semaphore(%arg10 : memref<!tpu.dma_semaphore, #tpu.memory_space<semaphore_mem>>)
      %dma_start3A_190 = arith.constant 2 : i32
      %dma_start3A_191 = arith.constant 256 : i32
      %dma_start3A_192 = arith.constant 0 : i32
      %dma_start3A_193 = tpu.memref_slice %arg8[%dma_start3A_191, %dma_start3A_192] : memref<640x64xf32, #tpu.memory_space<vmem>> -> memref<128x64xf32, #tpu.memory_space<vmem>>
      %dma_start3A_194 = arith.constant 0 : i32
      %dma_start3A_195 = tpu.memref_slice %arg6[%dma_start3A_190, %dma_start3A_194] : memref<5x128xi32, #tpu.memory_space<vmem>> -> memref<1x128xi32, #tpu.memory_space<vmem>>
      %dma_start3A_196 = tpu.memref_squeeze %dma_start3A_195 : memref<1x128xi32, #tpu.memory_space<vmem>> -> memref<128xi32, #tpu.memory_space<vmem>>
      %dma_start3A_197 = arith.constant 0 : i32
      %dma_start3A_198 = arith.constant 0 : i32
      %dma_start3A_199 = tpu.memref_slice %arg3[%dma_start3A_197, %dma_start3A_198] : memref<1000000x64xf32, #tpu.memory_space<hbm>> -> memref<1000000x64xf32, #tpu.memory_space<hbm>>
      tpu.enqueue_indirect_dma source(%dma_start3A_199 : memref<1000000x64xf32, #tpu.memory_space<hbm>>) target(%dma_start3A_193 : memref<128x64xf32, #tpu.memory_space<vmem>>) offsets(%dma_start3A_196 : memref<128xi32, #tpu.memory_space<vmem>>) semaphore(%arg10 : memref<!tpu.dma_semaphore, #tpu.memory_space<semaphore_mem>>)
      %dma_start3A_200 = arith.constant 3 : i32
      %dma_start3A_201 = arith.constant 384 : i32
      %dma_start3A_202 = arith.constant 0 : i32
      %dma_start3A_203 = tpu.memref_slice %arg8[%dma_start3A_201, %dma_start3A_202] : memref<640x64xf32, #tpu.memory_space<vmem>> -> memref<128x64xf32, #tpu.memory_space<vmem>>
      %dma_start3A_204 = arith.constant 0 : i32
      %dma_start3A_205 = tpu.memref_slice %arg6[%dma_start3A_200, %dma_start3A_204] : memref<5x128xi32, #tpu.memory_space<vmem>> -> memref<1x128xi32, #tpu.memory_space<vmem>>
      %dma_start3A_206 = tpu.memref_squeeze %dma_start3A_205 : memref<1x128xi32, #tpu.memory_space<vmem>> -> memref<128xi32, #tpu.memory_space<vmem>>
      %dma_start3A_207 = arith.constant 0 : i32
      %dma_start3A_208 = arith.constant 0 : i32
      %dma_start3A_209 = tpu.memref_slice %arg3[%dma_start3A_207, %dma_start3A_208] : memref<1000000x64xf32, #tpu.memory_space<hbm>> -> memref<1000000x64xf32, #tpu.memory_space<hbm>>
      tpu.enqueue_indirect_dma source(%dma_start3A_209 : memref<1000000x64xf32, #tpu.memory_space<hbm>>) target(%dma_start3A_203 : memref<128x64xf32, #tpu.memory_space<vmem>>) offsets(%dma_start3A_206 : memref<128xi32, #tpu.memory_space<vmem>>) semaphore(%arg10 : memref<!tpu.dma_semaphore, #tpu.memory_space<semaphore_mem>>)
      %dma_start3A_210 = arith.constant 4 : i32
      %dma_start3A_211 = arith.constant 512 : i32
      %dma_start3A_212 = arith.constant 0 : i32
      %dma_start3A_213 = tpu.memref_slice %arg8[%dma_start3A_211, %dma_start3A_212] : memref<640x64xf32, #tpu.memory_space<vmem>> -> memref<128x64xf32, #tpu.memory_space<vmem>>
      %dma_start3A_214 = arith.constant 0 : i32
      %dma_start3A_215 = tpu.memref_slice %arg6[%dma_start3A_210, %dma_start3A_214] : memref<5x128xi32, #tpu.memory_space<vmem>> -> memref<1x128xi32, #tpu.memory_space<vmem>>
      %dma_start3A_216 = tpu.memref_squeeze %dma_start3A_215 : memref<1x128xi32, #tpu.memory_space<vmem>> -> memref<128xi32, #tpu.memory_space<vmem>>
      %dma_start3A_217 = arith.constant 0 : i32
      %dma_start3A_218 = arith.constant 0 : i32
      %dma_start3A_219 = tpu.memref_slice %arg3[%dma_start3A_217, %dma_start3A_218] : memref<1000000x64xf32, #tpu.memory_space<hbm>> -> memref<1000000x64xf32, #tpu.memory_space<hbm>>
      tpu.enqueue_indirect_dma source(%dma_start3A_219 : memref<1000000x64xf32, #tpu.memory_space<hbm>>) target(%dma_start3A_213 : memref<128x64xf32, #tpu.memory_space<vmem>>) offsets(%dma_start3A_216 : memref<128xi32, #tpu.memory_space<vmem>>) semaphore(%arg10 : memref<!tpu.dma_semaphore, #tpu.memory_space<semaphore_mem>>)
      %dma_wait3A_220 = arith.constant 0 : i32
      %dma_wait3A_221 = arith.constant 0 : i32
      %dma_wait3A_222 = arith.constant 0 : i32
      %dma_wait3A_223 = tpu.memref_slice %arg8[%dma_wait3A_221, %dma_wait3A_222] : memref<640x64xf32, #tpu.memory_space<vmem>> -> memref<128x64xf32, #tpu.memory_space<vmem>>
      %dma_wait3A_224 = arith.constant 0 : i32
      %dma_wait3A_225 = tpu.memref_slice %arg6[%dma_wait3A_220, %dma_wait3A_224] : memref<5x128xi32, #tpu.memory_space<vmem>> -> memref<1x128xi32, #tpu.memory_space<vmem>>
      %dma_wait3A_226 = tpu.memref_squeeze %dma_wait3A_225 : memref<1x128xi32, #tpu.memory_space<vmem>> -> memref<128xi32, #tpu.memory_space<vmem>>
      %dma_wait3A_227 = arith.constant 0 : i32
      %dma_wait3A_228 = arith.constant 0 : i32
      %dma_wait3A_229 = tpu.memref_slice %arg3[%dma_wait3A_227, %dma_wait3A_228] : memref<1000000x64xf32, #tpu.memory_space<hbm>> -> memref<1000000x64xf32, #tpu.memory_space<hbm>>
      tpu.wait_indirect_dma semaphore(%arg10 : memref<!tpu.dma_semaphore, #tpu.memory_space<semaphore_mem>>) src(%dma_wait3A_229 : memref<1000000x64xf32, #tpu.memory_space<hbm>>) dst(%dma_wait3A_223 : memref<128x64xf32, #tpu.memory_space<vmem>>)
      %dma_wait3A_230 = arith.constant 1 : i32
      %dma_wait3A_231 = arith.constant 128 : i32
      %dma_wait3A_232 = arith.constant 0 : i32
      %dma_wait3A_233 = tpu.memref_slice %arg8[%dma_wait3A_231, %dma_wait3A_232] : memref<640x64xf32, #tpu.memory_space<vmem>> -> memref<128x64xf32, #tpu.memory_space<vmem>>
      %dma_wait3A_234 = arith.constant 0 : i32
      %dma_wait3A_235 = tpu.memref_slice %arg6[%dma_wait3A_230, %dma_wait3A_234] : memref<5x128xi32, #tpu.memory_space<vmem>> -> memref<1x128xi32, #tpu.memory_space<vmem>>
      %dma_wait3A_236 = tpu.memref_squeeze %dma_wait3A_235 : memref<1x128xi32, #tpu.memory_space<vmem>> -> memref<128xi32, #tpu.memory_space<vmem>>
      %dma_wait3A_237 = arith.constant 0 : i32
      %dma_wait3A_238 = arith.constant 0 : i32
      %dma_wait3A_239 = tpu.memref_slice %arg3[%dma_wait3A_237, %dma_wait3A_238] : memref<1000000x64xf32, #tpu.memory_space<hbm>> -> memref<1000000x64xf32, #tpu.memory_space<hbm>>
      tpu.wait_indirect_dma semaphore(%arg10 : memref<!tpu.dma_semaphore, #tpu.memory_space<semaphore_mem>>) src(%dma_wait3A_239 : memref<1000000x64xf32, #tpu.memory_space<hbm>>) dst(%dma_wait3A_233 : memref<128x64xf32, #tpu.memory_space<vmem>>)
      %dma_wait3A_240 = arith.constant 2 : i32
      %dma_wait3A_241 = arith.constant 256 : i32
      %dma_wait3A_242 = arith.constant 0 : i32
      %dma_wait3A_243 = tpu.memref_slice %arg8[%dma_wait3A_241, %dma_wait3A_242] : memref<640x64xf32, #tpu.memory_space<vmem>> -> memref<128x64xf32, #tpu.memory_space<vmem>>
      %dma_wait3A_244 = arith.constant 0 : i32
      %dma_wait3A_245 = tpu.memref_slice %arg6[%dma_wait3A_240, %dma_wait3A_244] : memref<5x128xi32, #tpu.memory_space<vmem>> -> memref<1x128xi32, #tpu.memory_space<vmem>>
      %dma_wait3A_246 = tpu.memref_squeeze %dma_wait3A_245 : memref<1x128xi32, #tpu.memory_space<vmem>> -> memref<128xi32, #tpu.memory_space<vmem>>
      %dma_wait3A_247 = arith.constant 0 : i32
      %dma_wait3A_248 = arith.constant 0 : i32
      %dma_wait3A_249 = tpu.memref_slice %arg3[%dma_wait3A_247, %dma_wait3A_248] : memref<1000000x64xf32, #tpu.memory_space<hbm>> -> memref<1000000x64xf32, #tpu.memory_space<hbm>>
      tpu.wait_indirect_dma semaphore(%arg10 : memref<!tpu.dma_semaphore, #tpu.memory_space<semaphore_mem>>) src(%dma_wait3A_249 : memref<1000000x64xf32, #tpu.memory_space<hbm>>) dst(%dma_wait3A_243 : memref<128x64xf32, #tpu.memory_space<vmem>>)
      %dma_wait3A_250 = arith.constant 3 : i32
      %dma_wait3A_251 = arith.constant 384 : i32
      %dma_wait3A_252 = arith.constant 0 : i32
      %dma_wait3A_253 = tpu.memref_slice %arg8[%dma_wait3A_251, %dma_wait3A_252] : memref<640x64xf32, #tpu.memory_space<vmem>> -> memref<128x64xf32, #tpu.memory_space<vmem>>
      %dma_wait3A_254 = arith.constant 0 : i32
      %dma_wait3A_255 = tpu.memref_slice %arg6[%dma_wait3A_250, %dma_wait3A_254] : memref<5x128xi32, #tpu.memory_space<vmem>> -> memref<1x128xi32, #tpu.memory_space<vmem>>
      %dma_wait3A_256 = tpu.memref_squeeze %dma_wait3A_255 : memref<1x128xi32, #tpu.memory_space<vmem>> -> memref<128xi32, #tpu.memory_space<vmem>>
      %dma_wait3A_257 = arith.constant 0 : i32
      %dma_wait3A_258 = arith.constant 0 : i32
      %dma_wait3A_259 = tpu.memref_slice %arg3[%dma_wait3A_257, %dma_wait3A_258] : memref<1000000x64xf32, #tpu.memory_space<hbm>> -> memref<1000000x64xf32, #tpu.memory_space<hbm>>
      tpu.wait_indirect_dma semaphore(%arg10 : memref<!tpu.dma_semaphore, #tpu.memory_space<semaphore_mem>>) src(%dma_wait3A_259 : memref<1000000x64xf32, #tpu.memory_space<hbm>>) dst(%dma_wait3A_253 : memref<128x64xf32, #tpu.memory_space<vmem>>)
      %dma_wait3A_260 = arith.constant 4 : i32
      %dma_wait3A_261 = arith.constant 512 : i32
      %dma_wait3A_262 = arith.constant 0 : i32
      %dma_wait3A_263 = tpu.memref_slice %arg8[%dma_wait3A_261, %dma_wait3A_262] : memref<640x64xf32, #tpu.memory_space<vmem>> -> memref<128x64xf32, #tpu.memory_space<vmem>>
      %dma_wait3A_264 = arith.constant 0 : i32
      %dma_wait3A_265 = tpu.memref_slice %arg6[%dma_wait3A_260, %dma_wait3A_264] : memref<5x128xi32, #tpu.memory_space<vmem>> -> memref<1x128xi32, #tpu.memory_space<vmem>>
      %dma_wait3A_266 = tpu.memref_squeeze %dma_wait3A_265 : memref<1x128xi32, #tpu.memory_space<vmem>> -> memref<128xi32, #tpu.memory_space<vmem>>
      %dma_wait3A_267 = arith.constant 0 : i32
      %dma_wait3A_268 = arith.constant 0 : i32
      %dma_wait3A_269 = tpu.memref_slice %arg3[%dma_wait3A_267, %dma_wait3A_268] : memref<1000000x64xf32, #tpu.memory_space<hbm>> -> memref<1000000x64xf32, #tpu.memory_space<hbm>>
      tpu.wait_indirect_dma semaphore(%arg10 : memref<!tpu.dma_semaphore, #tpu.memory_space<semaphore_mem>>) src(%dma_wait3A_269 : memref<1000000x64xf32, #tpu.memory_space<hbm>>) dst(%dma_wait3A_263 : memref<128x64xf32, #tpu.memory_space<vmem>>)
      %add3A_270 = arith.constant 2 : i32
      %add3A_271 = arith.addi %add3A_157, %add3A_270 : i32
      %lt3A_272 = arith.constant 20 : i32
      %lt3A_273 = arith.cmpi slt, %add3A_271, %lt3A_272 : i32
      %convert_element_type3A_274 = arith.extui %lt3A_273 : i1 to i32
      %cond3A_275 = arith.constant 0 : i32
      %cond3A_276 = arith.cmpi ne, %convert_element_type3A_274, %cond3A_275 : i32
      scf.if %cond3A_276 {
        %add3A_283 = arith.constant 10 : i32
        %add3A_284 = arith.addi %add3A_160, %add3A_283 : i32
        %dma_start3A_285 = arith.constant 0 : i32
        %dma_start3A_286 = tpu.memref_slice %arg2[%add3A_284, %dma_start3A_285] : memref<3200x128xi32, #tpu.memory_space<hbm>> -> memref<5x128xi32, #tpu.memory_space<hbm>>
        %dma_start3A_287 = arith.constant 0 : i32
        %dma_start3A_288 = tpu.memref_slice %arg2[%add3A_284, %dma_start3A_287] : memref<3200x128xi32, #tpu.memory_space<hbm>> -> memref<5x128xi32, #tpu.memory_space<hbm>>
        tpu.enqueue_dma source(%dma_start3A_288 : memref<5x128xi32, #tpu.memory_space<hbm>>) target(%arg6 : memref<5x128xi32, #tpu.memory_space<vmem>>) target_semaphore(%arg14 : memref<!tpu.dma_semaphore, #tpu.memory_space<semaphore_mem>>)
      } else {
      }
      %mul3A_277 = arith.constant 128 : i32
      %mul3A_278 = arith.muli %add3A_160, %mul3A_277 : i32
      %dma_start3A_279 = arith.constant 0 : i32
      %dma_start3A_280 = tpu.memref_slice %arg4[%mul3A_278, %dma_start3A_279] : memref<409600x64xf32, #tpu.memory_space<hbm>> -> memref<640x64xf32, #tpu.memory_space<hbm>>
      %dma_start3A_281 = arith.constant 0 : i32
      %dma_start3A_282 = tpu.memref_slice %arg4[%mul3A_278, %dma_start3A_281] : memref<409600x64xf32, #tpu.memory_space<hbm>> -> memref<640x64xf32, #tpu.memory_space<hbm>>
      tpu.enqueue_dma source(%arg8 : memref<640x64xf32, #tpu.memory_space<vmem>>) target(%dma_start3A_282 : memref<640x64xf32, #tpu.memory_space<hbm>>) target_semaphore(%arg12 : memref<!tpu.dma_semaphore, #tpu.memory_space<semaphore_mem>>)
    }
    %scan3A_16 = arith.constant 10 : i32
    %mul3A_17 = arith.constant 128 : i32
    %mul3A_18 = arith.muli %mul3A_2, %mul3A_17 : i32
    %dma_wait3A = arith.constant 0 : i32
    %dma_wait3A_19 = tpu.memref_slice %arg4[%mul3A_18, %dma_wait3A] : memref<409600x64xf32, #tpu.memory_space<hbm>> -> memref<640x64xf32, #tpu.memory_space<hbm>>
    %dma_wait3A_20 = arith.constant 0 : i32
    %dma_wait3A_21 = tpu.memref_slice %arg4[%mul3A_18, %dma_wait3A_20] : memref<409600x64xf32, #tpu.memory_space<hbm>> -> memref<640x64xf32, #tpu.memory_space<hbm>>
    tpu.wait_dma2 semaphore(%arg11 : memref<!tpu.dma_semaphore, #tpu.memory_space<semaphore_mem>>) src(%arg7 : memref<640x64xf32, #tpu.memory_space<vmem>>) dst(%dma_wait3A_21 : memref<640x64xf32, #tpu.memory_space<hbm>>)
    %mul3A_22 = arith.constant 128 : i32
    %mul3A_23 = arith.muli %mul3A_2, %mul3A_22 : i32
    %dma_wait3A_24 = arith.constant 0 : i32
    %dma_wait3A_25 = tpu.memref_slice %arg4[%mul3A_23, %dma_wait3A_24] : memref<409600x64xf32, #tpu.memory_space<hbm>> -> memref<640x64xf32, #tpu.memory_space<hbm>>
    %dma_wait3A_26 = arith.constant 0 : i32
    %dma_wait3A_27 = tpu.memref_slice %arg4[%mul3A_23, %dma_wait3A_26] : memref<409600x64xf32, #tpu.memory_space<hbm>> -> memref<640x64xf32, #tpu.memory_space<hbm>>
    tpu.wait_dma2 semaphore(%arg12 : memref<!tpu.dma_semaphore, #tpu.memory_space<semaphore_mem>>) src(%arg8 : memref<640x64xf32, #tpu.memory_space<vmem>>) dst(%dma_wait3A_27 : memref<640x64xf32, #tpu.memory_space<hbm>>)
    return
  }
}

#map = affine_map<(d0, d1) -> (0, 0)>
module attributes {stable_mosaic.version = 14 : i64} {
  func.func @_body(%arg0: i32, %arg1: i32, %arg2: memref<3200x128xi32, #tpu.memory_space<hbm>>, %arg3: memref<1000000x64xf32, #tpu.memory_space<hbm>>, %arg4: memref<409600x64xf32, #tpu.memory_space<hbm>>, %arg5: memref<5x128xi32, #tpu.memory_space<vmem>>, %arg6: memref<5x128xi32, #tpu.memory_space<vmem>>, %arg7: memref<640x64xf32, #tpu.memory_space<vmem>>, %arg8: memref<640x64xf32, #tpu.memory_space<vmem>>, %arg9: memref<!tpu.dma_semaphore, #tpu.memory_space<semaphore_mem>>, %arg10: memref<!tpu.dma_semaphore, #tpu.memory_space<semaphore_mem>>, %arg11: memref<!tpu.dma_semaphore, #tpu.memory_space<semaphore_mem>>, %arg12: memref<!tpu.dma_semaphore, #tpu.memory_space<semaphore_mem>>, %arg13: memref<!tpu.dma_semaphore, #tpu.memory_space<semaphore_mem>>, %arg14: memref<!tpu.dma_semaphore, #tpu.memory_space<semaphore_mem>>) attributes {dimension_semantics = [#tpu.dimension_semantics<core_parallel>, #tpu.dimension_semantics<subcore_parallel>], iteration_bounds = array<i64: 2, 16>, scalar_prefetch = 0 : i64, scratch_operands = 10 : i64, tpu.core_type = #tpu.core_type<sc_vector_subcore>, window_params = [{transform_indices = #map}, {transform_indices = #map}, {transform_indices = #map}]} {
    %mul3A = arith.constant 2 : i32
    %mul3A_0 = arith.muli %arg1, %mul3A : i32
    %add3A = arith.addi %mul3A_0, %arg0 : i32
    %mul3A_1 = arith.constant 100 : i32
    %mul3A_2 = arith.muli %add3A, %mul3A_1 : i32
    %dma_start3A = arith.constant 0 : i32
    %dma_start3A_3 = tpu.memref_slice %arg2[%mul3A_2, %dma_start3A] : memref<3200x128xi32, #tpu.memory_space<hbm>> -> memref<5x128xi32, #tpu.memory_space<hbm>>
    %dma_start3A_4 = arith.constant 0 : i32
    %dma_start3A_5 = tpu.memref_slice %arg2[%mul3A_2, %dma_start3A_4] : memref<3200x128xi32, #tpu.memory_space<hbm>> -> memref<5x128xi32, #tpu.memory_space<hbm>>
    tpu.enqueue_dma source(%dma_start3A_5 : memref<5x128xi32, #tpu.memory_space<hbm>>) target(%arg5 : memref<5x128xi32, #tpu.memory_space<vmem>>) target_semaphore(%arg13 : memref<!tpu.dma_semaphore, #tpu.memory_space<semaphore_mem>>)
    %add3A_6 = arith.constant 5 : i32
    %add3A_7 = arith.addi %mul3A_2, %add3A_6 : i32
    %dma_start3A_8 = arith.constant 0 : i32
    %dma_start3A_9 = tpu.memref_slice %arg2[%add3A_7, %dma_start3A_8] : memref<3200x128xi32, #tpu.memory_space<hbm>> -> memref<5x128xi32, #tpu.memory_space<hbm>>
    %dma_start3A_10 = arith.constant 0 : i32
    %dma_start3A_11 = tpu.memref_slice %arg2[%add3A_7, %dma_start3A_10] : memref<3200x128xi32, #tpu.memory_space<hbm>> -> memref<5x128xi32, #tpu.memory_space<hbm>>
    tpu.enqueue_dma source(%dma_start3A_11 : memref<5x128xi32, #tpu.memory_space<hbm>>) target(%arg6 : memref<5x128xi32, #tpu.memory_space<vmem>>) target_semaphore(%arg14 : memref<!tpu.dma_semaphore, #tpu.memory_space<semaphore_mem>>)
    %scan3A = arith.constant 0 : i32
    %scan3A_12 = arith.constant 0 : i32
    %scan3A_13 = arith.constant 10 : i32
    %scan3A_14 = arith.addi %scan3A_12, %scan3A_13 : i32
    %scan3A_15 = arith.constant 1 : i32
    scf.for %scan3A_28 = %scan3A_12 to %scan3A_14 step %scan3A_15  : i32 {
      %mul3A_29 = arith.constant 2 : i32
      %mul3A_30 = arith.muli %scan3A_28, %mul3A_29 : i32
      %add3A_31 = arith.constant 0 : i32
      %add3A_32 = arith.addi %mul3A_30, %add3A_31 : i32
      %mul3A_33 = arith.constant 5 : i32
      %mul3A_34 = arith.muli %add3A_32, %mul3A_33 : i32
      %add3A_35 = arith.addi %mul3A_2, %mul3A_34 : i32
      %dma_wait3A_36 = arith.constant 0 : i32
      %dma_wait3A_37 = tpu.memref_slice %arg2[%mul3A_2, %dma_wait3A_36] : memref<3200x128xi32, #tpu.memory_space<hbm>> -> memref<5x128xi32, #tpu.memory_space<hbm>>
      %dma_wait3A_38 = arith.constant 0 : i32
      %dma_wait3A_39 = tpu.memref_slice %arg2[%mul3A_2, %dma_wait3A_38] : memref<3200x128xi32, #tpu.memory_space<hbm>> -> memref<5x128xi32, #tpu.memory_space<hbm>>
      tpu.wait_dma2 semaphore(%arg13 : memref<!tpu.dma_semaphore, #tpu.memory_space<semaphore_mem>>) src(%dma_wait3A_39 : memref<5x128xi32, #tpu.memory_space<hbm>>) dst(%arg5 : memref<5x128xi32, #tpu.memory_space<vmem>>)
      %ge3A = arith.constant 2 : i32
      %ge3A_40 = arith.cmpi sge, %add3A_32, %ge3A : i32
      %convert_element_type3A = arith.extui %ge3A_40 : i1 to i32
      %cond3A = arith.constant 0 : i32
      %cond3A_41 = arith.cmpi ne, %convert_element_type3A, %cond3A : i32
      scf.if %cond3A_41 {
        %mul3A_283 = arith.constant 128 : i32
        %mul3A_284 = arith.muli %add3A_35, %mul3A_283 : i32
        %dma_wait3A_285 = arith.constant 0 : i32
        %dma_wait3A_286 = tpu.memref_slice %arg4[%mul3A_284, %dma_wait3A_285] : memref<409600x64xf32, #tpu.memory_space<hbm>> -> memref<640x64xf32, #tpu.memory_space<hbm>>
        %dma_wait3A_287 = arith.constant 0 : i32
        %dma_wait3A_288 = tpu.memref_slice %arg4[%mul3A_284, %dma_wait3A_287] : memref<409600x64xf32, #tpu.memory_space<hbm>> -> memref<640x64xf32, #tpu.memory_space<hbm>>
        tpu.wait_dma2 semaphore(%arg11 : memref<!tpu.dma_semaphore, #tpu.memory_space<semaphore_mem>>) src(%arg7 : memref<640x64xf32, #tpu.memory_space<vmem>>) dst(%dma_wait3A_288 : memref<640x64xf32, #tpu.memory_space<hbm>>)
      } else {
      }
      %dma_start3A_42 = arith.constant 0 : i32
      %dma_start3A_43 = arith.constant 0 : i32
      %dma_start3A_44 = arith.constant 0 : i32
      %dma_start3A_45 = tpu.memref_slice %arg7[%dma_start3A_43, %dma_start3A_44] : memref<640x64xf32, #tpu.memory_space<vmem>> -> memref<128x64xf32, #tpu.memory_space<vmem>>
      %dma_start3A_46 = arith.constant 0 : i32
      %dma_start3A_47 = tpu.memref_slice %arg5[%dma_start3A_42, %dma_start3A_46] : memref<5x128xi32, #tpu.memory_space<vmem>> -> memref<1x128xi32, #tpu.memory_space<vmem>>
      %dma_start3A_48 = tpu.memref_squeeze %dma_start3A_47 : memref<1x128xi32, #tpu.memory_space<vmem>> -> memref<128xi32, #tpu.memory_space<vmem>>
      %dma_start3A_49 = arith.constant 0 : i32
      %dma_start3A_50 = arith.constant 0 : i32
      %dma_start3A_51 = tpu.memref_slice %arg3[%dma_start3A_49, %dma_start3A_50] : memref<1000000x64xf32, #tpu.memory_space<hbm>> -> memref<1000000x64xf32, #tpu.memory_space<hbm>>
      tpu.enqueue_indirect_dma source(%dma_start3A_51 : memref<1000000x64xf32, #tpu.memory_space<hbm>>) target(%dma_start3A_45 : memref<128x64xf32, #tpu.memory_space<vmem>>) offsets(%dma_start3A_48 : memref<128xi32, #tpu.memory_space<vmem>>) semaphore(%arg9 : memref<!tpu.dma_semaphore, #tpu.memory_space<semaphore_mem>>)
      %dma_start3A_52 = arith.constant 1 : i32
      %dma_start3A_53 = arith.constant 128 : i32
      %dma_start3A_54 = arith.constant 0 : i32
      %dma_start3A_55 = tpu.memref_slice %arg7[%dma_start3A_53, %dma_start3A_54] : memref<640x64xf32, #tpu.memory_space<vmem>> -> memref<128x64xf32, #tpu.memory_space<vmem>>
      %dma_start3A_56 = arith.constant 0 : i32
      %dma_start3A_57 = tpu.memref_slice %arg5[%dma_start3A_52, %dma_start3A_56] : memref<5x128xi32, #tpu.memory_space<vmem>> -> memref<1x128xi32, #tpu.memory_space<vmem>>
      %dma_start3A_58 = tpu.memref_squeeze %dma_start3A_57 : memref<1x128xi32, #tpu.memory_space<vmem>> -> memref<128xi32, #tpu.memory_space<vmem>>
      %dma_start3A_59 = arith.constant 0 : i32
      %dma_start3A_60 = arith.constant 0 : i32
      %dma_start3A_61 = tpu.memref_slice %arg3[%dma_start3A_59, %dma_start3A_60] : memref<1000000x64xf32, #tpu.memory_space<hbm>> -> memref<1000000x64xf32, #tpu.memory_space<hbm>>
      tpu.enqueue_indirect_dma source(%dma_start3A_61 : memref<1000000x64xf32, #tpu.memory_space<hbm>>) target(%dma_start3A_55 : memref<128x64xf32, #tpu.memory_space<vmem>>) offsets(%dma_start3A_58 : memref<128xi32, #tpu.memory_space<vmem>>) semaphore(%arg9 : memref<!tpu.dma_semaphore, #tpu.memory_space<semaphore_mem>>)
      %dma_start3A_62 = arith.constant 2 : i32
      %dma_start3A_63 = arith.constant 256 : i32
      %dma_start3A_64 = arith.constant 0 : i32
      %dma_start3A_65 = tpu.memref_slice %arg7[%dma_start3A_63, %dma_start3A_64] : memref<640x64xf32, #tpu.memory_space<vmem>> -> memref<128x64xf32, #tpu.memory_space<vmem>>
      %dma_start3A_66 = arith.constant 0 : i32
      %dma_start3A_67 = tpu.memref_slice %arg5[%dma_start3A_62, %dma_start3A_66] : memref<5x128xi32, #tpu.memory_space<vmem>> -> memref<1x128xi32, #tpu.memory_space<vmem>>
      %dma_start3A_68 = tpu.memref_squeeze %dma_start3A_67 : memref<1x128xi32, #tpu.memory_space<vmem>> -> memref<128xi32, #tpu.memory_space<vmem>>
      %dma_start3A_69 = arith.constant 0 : i32
      %dma_start3A_70 = arith.constant 0 : i32
      %dma_start3A_71 = tpu.memref_slice %arg3[%dma_start3A_69, %dma_start3A_70] : memref<1000000x64xf32, #tpu.memory_space<hbm>> -> memref<1000000x64xf32, #tpu.memory_space<hbm>>
      tpu.enqueue_indirect_dma source(%dma_start3A_71 : memref<1000000x64xf32, #tpu.memory_space<hbm>>) target(%dma_start3A_65 : memref<128x64xf32, #tpu.memory_space<vmem>>) offsets(%dma_start3A_68 : memref<128xi32, #tpu.memory_space<vmem>>) semaphore(%arg9 : memref<!tpu.dma_semaphore, #tpu.memory_space<semaphore_mem>>)
      %dma_start3A_72 = arith.constant 3 : i32
      %dma_start3A_73 = arith.constant 384 : i32
      %dma_start3A_74 = arith.constant 0 : i32
      %dma_start3A_75 = tpu.memref_slice %arg7[%dma_start3A_73, %dma_start3A_74] : memref<640x64xf32, #tpu.memory_space<vmem>> -> memref<128x64xf32, #tpu.memory_space<vmem>>
      %dma_start3A_76 = arith.constant 0 : i32
      %dma_start3A_77 = tpu.memref_slice %arg5[%dma_start3A_72, %dma_start3A_76] : memref<5x128xi32, #tpu.memory_space<vmem>> -> memref<1x128xi32, #tpu.memory_space<vmem>>
      %dma_start3A_78 = tpu.memref_squeeze %dma_start3A_77 : memref<1x128xi32, #tpu.memory_space<vmem>> -> memref<128xi32, #tpu.memory_space<vmem>>
      %dma_start3A_79 = arith.constant 0 : i32
      %dma_start3A_80 = arith.constant 0 : i32
      %dma_start3A_81 = tpu.memref_slice %arg3[%dma_start3A_79, %dma_start3A_80] : memref<1000000x64xf32, #tpu.memory_space<hbm>> -> memref<1000000x64xf32, #tpu.memory_space<hbm>>
      tpu.enqueue_indirect_dma source(%dma_start3A_81 : memref<1000000x64xf32, #tpu.memory_space<hbm>>) target(%dma_start3A_75 : memref<128x64xf32, #tpu.memory_space<vmem>>) offsets(%dma_start3A_78 : memref<128xi32, #tpu.memory_space<vmem>>) semaphore(%arg9 : memref<!tpu.dma_semaphore, #tpu.memory_space<semaphore_mem>>)
      %dma_start3A_82 = arith.constant 4 : i32
      %dma_start3A_83 = arith.constant 512 : i32
      %dma_start3A_84 = arith.constant 0 : i32
      %dma_start3A_85 = tpu.memref_slice %arg7[%dma_start3A_83, %dma_start3A_84] : memref<640x64xf32, #tpu.memory_space<vmem>> -> memref<128x64xf32, #tpu.memory_space<vmem>>
      %dma_start3A_86 = arith.constant 0 : i32
      %dma_start3A_87 = tpu.memref_slice %arg5[%dma_start3A_82, %dma_start3A_86] : memref<5x128xi32, #tpu.memory_space<vmem>> -> memref<1x128xi32, #tpu.memory_space<vmem>>
      %dma_start3A_88 = tpu.memref_squeeze %dma_start3A_87 : memref<1x128xi32, #tpu.memory_space<vmem>> -> memref<128xi32, #tpu.memory_space<vmem>>
      %dma_start3A_89 = arith.constant 0 : i32
      %dma_start3A_90 = arith.constant 0 : i32
      %dma_start3A_91 = tpu.memref_slice %arg3[%dma_start3A_89, %dma_start3A_90] : memref<1000000x64xf32, #tpu.memory_space<hbm>> -> memref<1000000x64xf32, #tpu.memory_space<hbm>>
      tpu.enqueue_indirect_dma source(%dma_start3A_91 : memref<1000000x64xf32, #tpu.memory_space<hbm>>) target(%dma_start3A_85 : memref<128x64xf32, #tpu.memory_space<vmem>>) offsets(%dma_start3A_88 : memref<128xi32, #tpu.memory_space<vmem>>) semaphore(%arg9 : memref<!tpu.dma_semaphore, #tpu.memory_space<semaphore_mem>>)
      %dma_wait3A_92 = arith.constant 0 : i32
      %dma_wait3A_93 = arith.constant 0 : i32
      %dma_wait3A_94 = arith.constant 0 : i32
      %dma_wait3A_95 = tpu.memref_slice %arg7[%dma_wait3A_93, %dma_wait3A_94] : memref<640x64xf32, #tpu.memory_space<vmem>> -> memref<128x64xf32, #tpu.memory_space<vmem>>
      %dma_wait3A_96 = arith.constant 0 : i32
      %dma_wait3A_97 = tpu.memref_slice %arg5[%dma_wait3A_92, %dma_wait3A_96] : memref<5x128xi32, #tpu.memory_space<vmem>> -> memref<1x128xi32, #tpu.memory_space<vmem>>
      %dma_wait3A_98 = tpu.memref_squeeze %dma_wait3A_97 : memref<1x128xi32, #tpu.memory_space<vmem>> -> memref<128xi32, #tpu.memory_space<vmem>>
      %dma_wait3A_99 = arith.constant 0 : i32
      %dma_wait3A_100 = arith.constant 0 : i32
      %dma_wait3A_101 = tpu.memref_slice %arg3[%dma_wait3A_99, %dma_wait3A_100] : memref<1000000x64xf32, #tpu.memory_space<hbm>> -> memref<1000000x64xf32, #tpu.memory_space<hbm>>
      tpu.wait_indirect_dma semaphore(%arg9 : memref<!tpu.dma_semaphore, #tpu.memory_space<semaphore_mem>>) src(%dma_wait3A_101 : memref<1000000x64xf32, #tpu.memory_space<hbm>>) dst(%dma_wait3A_95 : memref<128x64xf32, #tpu.memory_space<vmem>>)
      %dma_wait3A_102 = arith.constant 1 : i32
      %dma_wait3A_103 = arith.constant 128 : i32
      %dma_wait3A_104 = arith.constant 0 : i32
      %dma_wait3A_105 = tpu.memref_slice %arg7[%dma_wait3A_103, %dma_wait3A_104] : memref<640x64xf32, #tpu.memory_space<vmem>> -> memref<128x64xf32, #tpu.memory_space<vmem>>
      %dma_wait3A_106 = arith.constant 0 : i32
      %dma_wait3A_107 = tpu.memref_slice %arg5[%dma_wait3A_102, %dma_wait3A_106] : memref<5x128xi32, #tpu.memory_space<vmem>> -> memref<1x128xi32, #tpu.memory_space<vmem>>
      %dma_wait3A_108 = tpu.memref_squeeze %dma_wait3A_107 : memref<1x128xi32, #tpu.memory_space<vmem>> -> memref<128xi32, #tpu.memory_space<vmem>>
      %dma_wait3A_109 = arith.constant 0 : i32
      %dma_wait3A_110 = arith.constant 0 : i32
      %dma_wait3A_111 = tpu.memref_slice %arg3[%dma_wait3A_109, %dma_wait3A_110] : memref<1000000x64xf32, #tpu.memory_space<hbm>> -> memref<1000000x64xf32, #tpu.memory_space<hbm>>
      tpu.wait_indirect_dma semaphore(%arg9 : memref<!tpu.dma_semaphore, #tpu.memory_space<semaphore_mem>>) src(%dma_wait3A_111 : memref<1000000x64xf32, #tpu.memory_space<hbm>>) dst(%dma_wait3A_105 : memref<128x64xf32, #tpu.memory_space<vmem>>)
      %dma_wait3A_112 = arith.constant 2 : i32
      %dma_wait3A_113 = arith.constant 256 : i32
      %dma_wait3A_114 = arith.constant 0 : i32
      %dma_wait3A_115 = tpu.memref_slice %arg7[%dma_wait3A_113, %dma_wait3A_114] : memref<640x64xf32, #tpu.memory_space<vmem>> -> memref<128x64xf32, #tpu.memory_space<vmem>>
      %dma_wait3A_116 = arith.constant 0 : i32
      %dma_wait3A_117 = tpu.memref_slice %arg5[%dma_wait3A_112, %dma_wait3A_116] : memref<5x128xi32, #tpu.memory_space<vmem>> -> memref<1x128xi32, #tpu.memory_space<vmem>>
      %dma_wait3A_118 = tpu.memref_squeeze %dma_wait3A_117 : memref<1x128xi32, #tpu.memory_space<vmem>> -> memref<128xi32, #tpu.memory_space<vmem>>
      %dma_wait3A_119 = arith.constant 0 : i32
      %dma_wait3A_120 = arith.constant 0 : i32
      %dma_wait3A_121 = tpu.memref_slice %arg3[%dma_wait3A_119, %dma_wait3A_120] : memref<1000000x64xf32, #tpu.memory_space<hbm>> -> memref<1000000x64xf32, #tpu.memory_space<hbm>>
      tpu.wait_indirect_dma semaphore(%arg9 : memref<!tpu.dma_semaphore, #tpu.memory_space<semaphore_mem>>) src(%dma_wait3A_121 : memref<1000000x64xf32, #tpu.memory_space<hbm>>) dst(%dma_wait3A_115 : memref<128x64xf32, #tpu.memory_space<vmem>>)
      %dma_wait3A_122 = arith.constant 3 : i32
      %dma_wait3A_123 = arith.constant 384 : i32
      %dma_wait3A_124 = arith.constant 0 : i32
      %dma_wait3A_125 = tpu.memref_slice %arg7[%dma_wait3A_123, %dma_wait3A_124] : memref<640x64xf32, #tpu.memory_space<vmem>> -> memref<128x64xf32, #tpu.memory_space<vmem>>
      %dma_wait3A_126 = arith.constant 0 : i32
      %dma_wait3A_127 = tpu.memref_slice %arg5[%dma_wait3A_122, %dma_wait3A_126] : memref<5x128xi32, #tpu.memory_space<vmem>> -> memref<1x128xi32, #tpu.memory_space<vmem>>
      %dma_wait3A_128 = tpu.memref_squeeze %dma_wait3A_127 : memref<1x128xi32, #tpu.memory_space<vmem>> -> memref<128xi32, #tpu.memory_space<vmem>>
      %dma_wait3A_129 = arith.constant 0 : i32
      %dma_wait3A_130 = arith.constant 0 : i32
      %dma_wait3A_131 = tpu.memref_slice %arg3[%dma_wait3A_129, %dma_wait3A_130] : memref<1000000x64xf32, #tpu.memory_space<hbm>> -> memref<1000000x64xf32, #tpu.memory_space<hbm>>
      tpu.wait_indirect_dma semaphore(%arg9 : memref<!tpu.dma_semaphore, #tpu.memory_space<semaphore_mem>>) src(%dma_wait3A_131 : memref<1000000x64xf32, #tpu.memory_space<hbm>>) dst(%dma_wait3A_125 : memref<128x64xf32, #tpu.memory_space<vmem>>)
      %dma_wait3A_132 = arith.constant 4 : i32
      %dma_wait3A_133 = arith.constant 512 : i32
      %dma_wait3A_134 = arith.constant 0 : i32
      %dma_wait3A_135 = tpu.memref_slice %arg7[%dma_wait3A_133, %dma_wait3A_134] : memref<640x64xf32, #tpu.memory_space<vmem>> -> memref<128x64xf32, #tpu.memory_space<vmem>>
      %dma_wait3A_136 = arith.constant 0 : i32
      %dma_wait3A_137 = tpu.memref_slice %arg5[%dma_wait3A_132, %dma_wait3A_136] : memref<5x128xi32, #tpu.memory_space<vmem>> -> memref<1x128xi32, #tpu.memory_space<vmem>>
      %dma_wait3A_138 = tpu.memref_squeeze %dma_wait3A_137 : memref<1x128xi32, #tpu.memory_space<vmem>> -> memref<128xi32, #tpu.memory_space<vmem>>
      %dma_wait3A_139 = arith.constant 0 : i32
      %dma_wait3A_140 = arith.constant 0 : i32
      %dma_wait3A_141 = tpu.memref_slice %arg3[%dma_wait3A_139, %dma_wait3A_140] : memref<1000000x64xf32, #tpu.memory_space<hbm>> -> memref<1000000x64xf32, #tpu.memory_space<hbm>>
      tpu.wait_indirect_dma semaphore(%arg9 : memref<!tpu.dma_semaphore, #tpu.memory_space<semaphore_mem>>) src(%dma_wait3A_141 : memref<1000000x64xf32, #tpu.memory_space<hbm>>) dst(%dma_wait3A_135 : memref<128x64xf32, #tpu.memory_space<vmem>>)
      %add3A_142 = arith.constant 2 : i32
      %add3A_143 = arith.addi %add3A_32, %add3A_142 : i32
      %lt3A = arith.constant 20 : i32
      %lt3A_144 = arith.cmpi slt, %add3A_143, %lt3A : i32
      %convert_element_type3A_145 = arith.extui %lt3A_144 : i1 to i32
      %cond3A_146 = arith.constant 0 : i32
      %cond3A_147 = arith.cmpi ne, %convert_element_type3A_145, %cond3A_146 : i32
      scf.if %cond3A_147 {
        %add3A_283 = arith.constant 10 : i32
        %add3A_284 = arith.addi %add3A_35, %add3A_283 : i32
        %dma_start3A_285 = arith.constant 0 : i32
        %dma_start3A_286 = tpu.memref_slice %arg2[%add3A_284, %dma_start3A_285] : memref<3200x128xi32, #tpu.memory_space<hbm>> -> memref<5x128xi32, #tpu.memory_space<hbm>>
        %dma_start3A_287 = arith.constant 0 : i32
        %dma_start3A_288 = tpu.memref_slice %arg2[%add3A_284, %dma_start3A_287] : memref<3200x128xi32, #tpu.memory_space<hbm>> -> memref<5x128xi32, #tpu.memory_space<hbm>>
        tpu.enqueue_dma source(%dma_start3A_288 : memref<5x128xi32, #tpu.memory_space<hbm>>) target(%arg5 : memref<5x128xi32, #tpu.memory_space<vmem>>) target_semaphore(%arg13 : memref<!tpu.dma_semaphore, #tpu.memory_space<semaphore_mem>>)
      } else {
      }
      %mul3A_148 = arith.constant 128 : i32
      %mul3A_149 = arith.muli %add3A_35, %mul3A_148 : i32
      %dma_start3A_150 = arith.constant 0 : i32
      %dma_start3A_151 = tpu.memref_slice %arg4[%mul3A_149, %dma_start3A_150] : memref<409600x64xf32, #tpu.memory_space<hbm>> -> memref<640x64xf32, #tpu.memory_space<hbm>>
      %dma_start3A_152 = arith.constant 0 : i32
      %dma_start3A_153 = tpu.memref_slice %arg4[%mul3A_149, %dma_start3A_152] : memref<409600x64xf32, #tpu.memory_space<hbm>> -> memref<640x64xf32, #tpu.memory_space<hbm>>
      tpu.enqueue_dma source(%arg7 : memref<640x64xf32, #tpu.memory_space<vmem>>) target(%dma_start3A_153 : memref<640x64xf32, #tpu.memory_space<hbm>>) target_semaphore(%arg11 : memref<!tpu.dma_semaphore, #tpu.memory_space<semaphore_mem>>)
      %mul3A_154 = arith.constant 2 : i32
      %mul3A_155 = arith.muli %scan3A_28, %mul3A_154 : i32
      %add3A_156 = arith.constant 1 : i32
      %add3A_157 = arith.addi %mul3A_155, %add3A_156 : i32
      %mul3A_158 = arith.constant 5 : i32
      %mul3A_159 = arith.muli %add3A_157, %mul3A_158 : i32
      %add3A_160 = arith.addi %mul3A_2, %mul3A_159 : i32
      %dma_wait3A_161 = arith.constant 0 : i32
      %dma_wait3A_162 = tpu.memref_slice %arg2[%mul3A_2, %dma_wait3A_161] : memref<3200x128xi32, #tpu.memory_space<hbm>> -> memref<5x128xi32, #tpu.memory_space<hbm>>
      %dma_wait3A_163 = arith.constant 0 : i32
      %dma_wait3A_164 = tpu.memref_slice %arg2[%mul3A_2, %dma_wait3A_163] : memref<3200x128xi32, #tpu.memory_space<hbm>> -> memref<5x128xi32, #tpu.memory_space<hbm>>
      tpu.wait_dma2 semaphore(%arg14 : memref<!tpu.dma_semaphore, #tpu.memory_space<semaphore_mem>>) src(%dma_wait3A_164 : memref<5x128xi32, #tpu.memory_space<hbm>>) dst(%arg6 : memref<5x128xi32, #tpu.memory_space<vmem>>)
      %ge3A_165 = arith.constant 2 : i32
      %ge3A_166 = arith.cmpi sge, %add3A_157, %ge3A_165 : i32
      %convert_element_type3A_167 = arith.extui %ge3A_166 : i1 to i32
      %cond3A_168 = arith.constant 0 : i32
      %cond3A_169 = arith.cmpi ne, %convert_element_type3A_167, %cond3A_168 : i32
      scf.if %cond3A_169 {
        %mul3A_283 = arith.constant 128 : i32
        %mul3A_284 = arith.muli %add3A_160, %mul3A_283 : i32
        %dma_wait3A_285 = arith.constant 0 : i32
        %dma_wait3A_286 = tpu.memref_slice %arg4[%mul3A_284, %dma_wait3A_285] : memref<409600x64xf32, #tpu.memory_space<hbm>> -> memref<640x64xf32, #tpu.memory_space<hbm>>
        %dma_wait3A_287 = arith.constant 0 : i32
        %dma_wait3A_288 = tpu.memref_slice %arg4[%mul3A_284, %dma_wait3A_287] : memref<409600x64xf32, #tpu.memory_space<hbm>> -> memref<640x64xf32, #tpu.memory_space<hbm>>
        tpu.wait_dma2 semaphore(%arg12 : memref<!tpu.dma_semaphore, #tpu.memory_space<semaphore_mem>>) src(%arg8 : memref<640x64xf32, #tpu.memory_space<vmem>>) dst(%dma_wait3A_288 : memref<640x64xf32, #tpu.memory_space<hbm>>)
      } else {
      }
      %dma_start3A_170 = arith.constant 0 : i32
      %dma_start3A_171 = arith.constant 0 : i32
      %dma_start3A_172 = arith.constant 0 : i32
      %dma_start3A_173 = tpu.memref_slice %arg8[%dma_start3A_171, %dma_start3A_172] : memref<640x64xf32, #tpu.memory_space<vmem>> -> memref<128x64xf32, #tpu.memory_space<vmem>>
      %dma_start3A_174 = arith.constant 0 : i32
      %dma_start3A_175 = tpu.memref_slice %arg6[%dma_start3A_170, %dma_start3A_174] : memref<5x128xi32, #tpu.memory_space<vmem>> -> memref<1x128xi32, #tpu.memory_space<vmem>>
      %dma_start3A_176 = tpu.memref_squeeze %dma_start3A_175 : memref<1x128xi32, #tpu.memory_space<vmem>> -> memref<128xi32, #tpu.memory_space<vmem>>
      %dma_start3A_177 = arith.constant 0 : i32
      %dma_start3A_178 = arith.constant 0 : i32
      %dma_start3A_179 = tpu.memref_slice %arg3[%dma_start3A_177, %dma_start3A_178] : memref<1000000x64xf32, #tpu.memory_space<hbm>> -> memref<1000000x64xf32, #tpu.memory_space<hbm>>
      tpu.enqueue_indirect_dma source(%dma_start3A_179 : memref<1000000x64xf32, #tpu.memory_space<hbm>>) target(%dma_start3A_173 : memref<128x64xf32, #tpu.memory_space<vmem>>) offsets(%dma_start3A_176 : memref<128xi32, #tpu.memory_space<vmem>>) semaphore(%arg10 : memref<!tpu.dma_semaphore, #tpu.memory_space<semaphore_mem>>)
      %dma_start3A_180 = arith.constant 1 : i32
      %dma_start3A_181 = arith.constant 128 : i32
      %dma_start3A_182 = arith.constant 0 : i32
      %dma_start3A_183 = tpu.memref_slice %arg8[%dma_start3A_181, %dma_start3A_182] : memref<640x64xf32, #tpu.memory_space<vmem>> -> memref<128x64xf32, #tpu.memory_space<vmem>>
      %dma_start3A_184 = arith.constant 0 : i32
      %dma_start3A_185 = tpu.memref_slice %arg6[%dma_start3A_180, %dma_start3A_184] : memref<5x128xi32, #tpu.memory_space<vmem>> -> memref<1x128xi32, #tpu.memory_space<vmem>>
      %dma_start3A_186 = tpu.memref_squeeze %dma_start3A_185 : memref<1x128xi32, #tpu.memory_space<vmem>> -> memref<128xi32, #tpu.memory_space<vmem>>
      %dma_start3A_187 = arith.constant 0 : i32
      %dma_start3A_188 = arith.constant 0 : i32
      %dma_start3A_189 = tpu.memref_slice %arg3[%dma_start3A_187, %dma_start3A_188] : memref<1000000x64xf32, #tpu.memory_space<hbm>> -> memref<1000000x64xf32, #tpu.memory_space<hbm>>
      tpu.enqueue_indirect_dma source(%dma_start3A_189 : memref<1000000x64xf32, #tpu.memory_space<hbm>>) target(%dma_start3A_183 : memref<128x64xf32, #tpu.memory_space<vmem>>) offsets(%dma_start3A_186 : memref<128xi32, #tpu.memory_space<vmem>>) semaphore(%arg10 : memref<!tpu.dma_semaphore, #tpu.memory_space<semaphore_mem>>)
      %dma_start3A_190 = arith.constant 2 : i32
      %dma_start3A_191 = arith.constant 256 : i32
      %dma_start3A_192 = arith.constant 0 : i32
      %dma_start3A_193 = tpu.memref_slice %arg8[%dma_start3A_191, %dma_start3A_192] : memref<640x64xf32, #tpu.memory_space<vmem>> -> memref<128x64xf32, #tpu.memory_space<vmem>>
      %dma_start3A_194 = arith.constant 0 : i32
      %dma_start3A_195 = tpu.memref_slice %arg6[%dma_start3A_190, %dma_start3A_194] : memref<5x128xi32, #tpu.memory_space<vmem>> -> memref<1x128xi32, #tpu.memory_space<vmem>>
      %dma_start3A_196 = tpu.memref_squeeze %dma_start3A_195 : memref<1x128xi32, #tpu.memory_space<vmem>> -> memref<128xi32, #tpu.memory_space<vmem>>
      %dma_start3A_197 = arith.constant 0 : i32
      %dma_start3A_198 = arith.constant 0 : i32
      %dma_start3A_199 = tpu.memref_slice %arg3[%dma_start3A_197, %dma_start3A_198] : memref<1000000x64xf32, #tpu.memory_space<hbm>> -> memref<1000000x64xf32, #tpu.memory_space<hbm>>
      tpu.enqueue_indirect_dma source(%dma_start3A_199 : memref<1000000x64xf32, #tpu.memory_space<hbm>>) target(%dma_start3A_193 : memref<128x64xf32, #tpu.memory_space<vmem>>) offsets(%dma_start3A_196 : memref<128xi32, #tpu.memory_space<vmem>>) semaphore(%arg10 : memref<!tpu.dma_semaphore, #tpu.memory_space<semaphore_mem>>)
      %dma_start3A_200 = arith.constant 3 : i32
      %dma_start3A_201 = arith.constant 384 : i32
      %dma_start3A_202 = arith.constant 0 : i32
      %dma_start3A_203 = tpu.memref_slice %arg8[%dma_start3A_201, %dma_start3A_202] : memref<640x64xf32, #tpu.memory_space<vmem>> -> memref<128x64xf32, #tpu.memory_space<vmem>>
      %dma_start3A_204 = arith.constant 0 : i32
      %dma_start3A_205 = tpu.memref_slice %arg6[%dma_start3A_200, %dma_start3A_204] : memref<5x128xi32, #tpu.memory_space<vmem>> -> memref<1x128xi32, #tpu.memory_space<vmem>>
      %dma_start3A_206 = tpu.memref_squeeze %dma_start3A_205 : memref<1x128xi32, #tpu.memory_space<vmem>> -> memref<128xi32, #tpu.memory_space<vmem>>
      %dma_start3A_207 = arith.constant 0 : i32
      %dma_start3A_208 = arith.constant 0 : i32
      %dma_start3A_209 = tpu.memref_slice %arg3[%dma_start3A_207, %dma_start3A_208] : memref<1000000x64xf32, #tpu.memory_space<hbm>> -> memref<1000000x64xf32, #tpu.memory_space<hbm>>
      tpu.enqueue_indirect_dma source(%dma_start3A_209 : memref<1000000x64xf32, #tpu.memory_space<hbm>>) target(%dma_start3A_203 : memref<128x64xf32, #tpu.memory_space<vmem>>) offsets(%dma_start3A_206 : memref<128xi32, #tpu.memory_space<vmem>>) semaphore(%arg10 : memref<!tpu.dma_semaphore, #tpu.memory_space<semaphore_mem>>)
      %dma_start3A_210 = arith.constant 4 : i32
      %dma_start3A_211 = arith.constant 512 : i32
      %dma_start3A_212 = arith.constant 0 : i32
      %dma_start3A_213 = tpu.memref_slice %arg8[%dma_start3A_211, %dma_start3A_212] : memref<640x64xf32, #tpu.memory_space<vmem>> -> memref<128x64xf32, #tpu.memory_space<vmem>>
      %dma_start3A_214 = arith.constant 0 : i32
      %dma_start3A_215 = tpu.memref_slice %arg6[%dma_start3A_210, %dma_start3A_214] : memref<5x128xi32, #tpu.memory_space<vmem>> -> memref<1x128xi32, #tpu.memory_space<vmem>>
      %dma_start3A_216 = tpu.memref_squeeze %dma_start3A_215 : memref<1x128xi32, #tpu.memory_space<vmem>> -> memref<128xi32, #tpu.memory_space<vmem>>
      %dma_start3A_217 = arith.constant 0 : i32
      %dma_start3A_218 = arith.constant 0 : i32
      %dma_start3A_219 = tpu.memref_slice %arg3[%dma_start3A_217, %dma_start3A_218] : memref<1000000x64xf32, #tpu.memory_space<hbm>> -> memref<1000000x64xf32, #tpu.memory_space<hbm>>
      tpu.enqueue_indirect_dma source(%dma_start3A_219 : memref<1000000x64xf32, #tpu.memory_space<hbm>>) target(%dma_start3A_213 : memref<128x64xf32, #tpu.memory_space<vmem>>) offsets(%dma_start3A_216 : memref<128xi32, #tpu.memory_space<vmem>>) semaphore(%arg10 : memref<!tpu.dma_semaphore, #tpu.memory_space<semaphore_mem>>)
      %dma_wait3A_220 = arith.constant 0 : i32
      %dma_wait3A_221 = arith.constant 0 : i32
      %dma_wait3A_222 = arith.constant 0 : i32
      %dma_wait3A_223 = tpu.memref_slice %arg8[%dma_wait3A_221, %dma_wait3A_222] : memref<640x64xf32, #tpu.memory_space<vmem>> -> memref<128x64xf32, #tpu.memory_space<vmem>>
      %dma_wait3A_224 = arith.constant 0 : i32
      %dma_wait3A_225 = tpu.memref_slice %arg6[%dma_wait3A_220, %dma_wait3A_224] : memref<5x128xi32, #tpu.memory_space<vmem>> -> memref<1x128xi32, #tpu.memory_space<vmem>>
      %dma_wait3A_226 = tpu.memref_squeeze %dma_wait3A_225 : memref<1x128xi32, #tpu.memory_space<vmem>> -> memref<128xi32, #tpu.memory_space<vmem>>
      %dma_wait3A_227 = arith.constant 0 : i32
      %dma_wait3A_228 = arith.constant 0 : i32
      %dma_wait3A_229 = tpu.memref_slice %arg3[%dma_wait3A_227, %dma_wait3A_228] : memref<1000000x64xf32, #tpu.memory_space<hbm>> -> memref<1000000x64xf32, #tpu.memory_space<hbm>>
      tpu.wait_indirect_dma semaphore(%arg10 : memref<!tpu.dma_semaphore, #tpu.memory_space<semaphore_mem>>) src(%dma_wait3A_229 : memref<1000000x64xf32, #tpu.memory_space<hbm>>) dst(%dma_wait3A_223 : memref<128x64xf32, #tpu.memory_space<vmem>>)
      %dma_wait3A_230 = arith.constant 1 : i32
      %dma_wait3A_231 = arith.constant 128 : i32
      %dma_wait3A_232 = arith.constant 0 : i32
      %dma_wait3A_233 = tpu.memref_slice %arg8[%dma_wait3A_231, %dma_wait3A_232] : memref<640x64xf32, #tpu.memory_space<vmem>> -> memref<128x64xf32, #tpu.memory_space<vmem>>
      %dma_wait3A_234 = arith.constant 0 : i32
      %dma_wait3A_235 = tpu.memref_slice %arg6[%dma_wait3A_230, %dma_wait3A_234] : memref<5x128xi32, #tpu.memory_space<vmem>> -> memref<1x128xi32, #tpu.memory_space<vmem>>
      %dma_wait3A_236 = tpu.memref_squeeze %dma_wait3A_235 : memref<1x128xi32, #tpu.memory_space<vmem>> -> memref<128xi32, #tpu.memory_space<vmem>>
      %dma_wait3A_237 = arith.constant 0 : i32
      %dma_wait3A_238 = arith.constant 0 : i32
      %dma_wait3A_239 = tpu.memref_slice %arg3[%dma_wait3A_237, %dma_wait3A_238] : memref<1000000x64xf32, #tpu.memory_space<hbm>> -> memref<1000000x64xf32, #tpu.memory_space<hbm>>
      tpu.wait_indirect_dma semaphore(%arg10 : memref<!tpu.dma_semaphore, #tpu.memory_space<semaphore_mem>>) src(%dma_wait3A_239 : memref<1000000x64xf32, #tpu.memory_space<hbm>>) dst(%dma_wait3A_233 : memref<128x64xf32, #tpu.memory_space<vmem>>)
      %dma_wait3A_240 = arith.constant 2 : i32
      %dma_wait3A_241 = arith.constant 256 : i32
      %dma_wait3A_242 = arith.constant 0 : i32
      %dma_wait3A_243 = tpu.memref_slice %arg8[%dma_wait3A_241, %dma_wait3A_242] : memref<640x64xf32, #tpu.memory_space<vmem>> -> memref<128x64xf32, #tpu.memory_space<vmem>>
      %dma_wait3A_244 = arith.constant 0 : i32
      %dma_wait3A_245 = tpu.memref_slice %arg6[%dma_wait3A_240, %dma_wait3A_244] : memref<5x128xi32, #tpu.memory_space<vmem>> -> memref<1x128xi32, #tpu.memory_space<vmem>>
      %dma_wait3A_246 = tpu.memref_squeeze %dma_wait3A_245 : memref<1x128xi32, #tpu.memory_space<vmem>> -> memref<128xi32, #tpu.memory_space<vmem>>
      %dma_wait3A_247 = arith.constant 0 : i32
      %dma_wait3A_248 = arith.constant 0 : i32
      %dma_wait3A_249 = tpu.memref_slice %arg3[%dma_wait3A_247, %dma_wait3A_248] : memref<1000000x64xf32, #tpu.memory_space<hbm>> -> memref<1000000x64xf32, #tpu.memory_space<hbm>>
      tpu.wait_indirect_dma semaphore(%arg10 : memref<!tpu.dma_semaphore, #tpu.memory_space<semaphore_mem>>) src(%dma_wait3A_249 : memref<1000000x64xf32, #tpu.memory_space<hbm>>) dst(%dma_wait3A_243 : memref<128x64xf32, #tpu.memory_space<vmem>>)
      %dma_wait3A_250 = arith.constant 3 : i32
      %dma_wait3A_251 = arith.constant 384 : i32
      %dma_wait3A_252 = arith.constant 0 : i32
      %dma_wait3A_253 = tpu.memref_slice %arg8[%dma_wait3A_251, %dma_wait3A_252] : memref<640x64xf32, #tpu.memory_space<vmem>> -> memref<128x64xf32, #tpu.memory_space<vmem>>
      %dma_wait3A_254 = arith.constant 0 : i32
      %dma_wait3A_255 = tpu.memref_slice %arg6[%dma_wait3A_250, %dma_wait3A_254] : memref<5x128xi32, #tpu.memory_space<vmem>> -> memref<1x128xi32, #tpu.memory_space<vmem>>
      %dma_wait3A_256 = tpu.memref_squeeze %dma_wait3A_255 : memref<1x128xi32, #tpu.memory_space<vmem>> -> memref<128xi32, #tpu.memory_space<vmem>>
      %dma_wait3A_257 = arith.constant 0 : i32
      %dma_wait3A_258 = arith.constant 0 : i32
      %dma_wait3A_259 = tpu.memref_slice %arg3[%dma_wait3A_257, %dma_wait3A_258] : memref<1000000x64xf32, #tpu.memory_space<hbm>> -> memref<1000000x64xf32, #tpu.memory_space<hbm>>
      tpu.wait_indirect_dma semaphore(%arg10 : memref<!tpu.dma_semaphore, #tpu.memory_space<semaphore_mem>>) src(%dma_wait3A_259 : memref<1000000x64xf32, #tpu.memory_space<hbm>>) dst(%dma_wait3A_253 : memref<128x64xf32, #tpu.memory_space<vmem>>)
      %dma_wait3A_260 = arith.constant 4 : i32
      %dma_wait3A_261 = arith.constant 512 : i32
      %dma_wait3A_262 = arith.constant 0 : i32
      %dma_wait3A_263 = tpu.memref_slice %arg8[%dma_wait3A_261, %dma_wait3A_262] : memref<640x64xf32, #tpu.memory_space<vmem>> -> memref<128x64xf32, #tpu.memory_space<vmem>>
      %dma_wait3A_264 = arith.constant 0 : i32
      %dma_wait3A_265 = tpu.memref_slice %arg6[%dma_wait3A_260, %dma_wait3A_264] : memref<5x128xi32, #tpu.memory_space<vmem>> -> memref<1x128xi32, #tpu.memory_space<vmem>>
      %dma_wait3A_266 = tpu.memref_squeeze %dma_wait3A_265 : memref<1x128xi32, #tpu.memory_space<vmem>> -> memref<128xi32, #tpu.memory_space<vmem>>
      %dma_wait3A_267 = arith.constant 0 : i32
      %dma_wait3A_268 = arith.constant 0 : i32
      %dma_wait3A_269 = tpu.memref_slice %arg3[%dma_wait3A_267, %dma_wait3A_268] : memref<1000000x64xf32, #tpu.memory_space<hbm>> -> memref<1000000x64xf32, #tpu.memory_space<hbm>>
      tpu.wait_indirect_dma semaphore(%arg10 : memref<!tpu.dma_semaphore, #tpu.memory_space<semaphore_mem>>) src(%dma_wait3A_269 : memref<1000000x64xf32, #tpu.memory_space<hbm>>) dst(%dma_wait3A_263 : memref<128x64xf32, #tpu.memory_space<vmem>>)
      %add3A_270 = arith.constant 2 : i32
      %add3A_271 = arith.addi %add3A_157, %add3A_270 : i32
      %lt3A_272 = arith.constant 20 : i32
      %lt3A_273 = arith.cmpi slt, %add3A_271, %lt3A_272 : i32
      %convert_element_type3A_274 = arith.extui %lt3A_273 : i1 to i32
      %cond3A_275 = arith.constant 0 : i32
      %cond3A_276 = arith.cmpi ne, %convert_element_type3A_274, %cond3A_275 : i32
      scf.if %cond3A_276 {
        %add3A_283 = arith.constant 10 : i32
        %add3A_284 = arith.addi %add3A_160, %add3A_283 : i32
        %dma_start3A_285 = arith.constant 0 : i32
        %dma_start3A_286 = tpu.memref_slice %arg2[%add3A_284, %dma_start3A_285] : memref<3200x128xi32, #tpu.memory_space<hbm>> -> memref<5x128xi32, #tpu.memory_space<hbm>>
        %dma_start3A_287 = arith.constant 0 : i32
        %dma_start3A_288 = tpu.memref_slice %arg2[%add3A_284, %dma_start3A_287] : memref<3200x128xi32, #tpu.memory_space<hbm>> -> memref<5x128xi32, #tpu.memory_space<hbm>>
        tpu.enqueue_dma source(%dma_start3A_288 : memref<5x128xi32, #tpu.memory_space<hbm>>) target(%arg6 : memref<5x128xi32, #tpu.memory_space<vmem>>) target_semaphore(%arg14 : memref<!tpu.dma_semaphore, #tpu.memory_space<semaphore_mem>>)
      } else {
      }
      %mul3A_277 = arith.constant 128 : i32
      %mul3A_278 = arith.muli %add3A_160, %mul3A_277 : i32
      %dma_start3A_279 = arith.constant 0 : i32
      %dma_start3A_280 = tpu.memref_slice %arg4[%mul3A_278, %dma_start3A_279] : memref<409600x64xf32, #tpu.memory_space<hbm>> -> memref<640x64xf32, #tpu.memory_space<hbm>>
      %dma_start3A_281 = arith.constant 0 : i32
      %dma_start3A_282 = tpu.memref_slice %arg4[%mul3A_278, %dma_start3A_281] : memref<409600x64xf32, #tpu.memory_space<hbm>> -> memref<640x64xf32, #tpu.memory_space<hbm>>
      tpu.enqueue_dma source(%arg8 : memref<640x64xf32, #tpu.memory_space<vmem>>) target(%dma_start3A_282 : memref<640x64xf32, #tpu.memory_space<hbm>>) target_semaphore(%arg12 : memref<!tpu.dma_semaphore, #tpu.memory_space<semaphore_mem>>)
    }
    %scan3A_16 = arith.constant 10 : i32
    %mul3A_17 = arith.constant 128 : i32
    %mul3A_18 = arith.muli %mul3A_2, %mul3A_17 : i32
    %dma_wait3A = arith.constant 0 : i32
    %dma_wait3A_19 = tpu.memref_slice %arg4[%mul3A_18, %dma_wait3A] : memref<409600x64xf32, #tpu.memory_space<hbm>> -> memref<640x64xf32, #tpu.memory_space<hbm>>
    %dma_wait3A_20 = arith.constant 0 : i32
    %dma_wait3A_21 = tpu.memref_slice %arg4[%mul3A_18, %dma_wait3A_20] : memref<409600x64xf32, #tpu.memory_space<hbm>> -> memref<640x64xf32, #tpu.memory_space<hbm>>
    tpu.wait_dma2 semaphore(%arg11 : memref<!tpu.dma_semaphore, #tpu.memory_space<semaphore_mem>>) src(%arg7 : memref<640x64xf32, #tpu.memory_space<vmem>>) dst(%dma_wait3A_21 : memref<640x64xf32, #tpu.memory_space<hbm>>)
    %mul3A_22 = arith.constant 128 : i32
    %mul3A_23 = arith.muli %mul3A_2, %mul3A_22 : i32
    %dma_wait3A_24 = arith.constant 0 : i32
    %dma_wait3A_25 = tpu.memref_slice %arg4[%mul3A_23, %dma_wait3A_24] : memref<409600x64xf32, #tpu.memory_space<hbm>> -> memref<640x64xf32, #tpu.memory_space<hbm>>
    %dma_wait3A_26 = arith.constant 0 : i32
    %dma_wait3A_27 = tpu.memref_slice %arg4[%mul3A_23, %dma_wait3A_26] : memref<409600x64xf32, #tpu.memory_space<hbm>> -> memref<640x64xf32, #tpu.memory_space<hbm>>
    tpu.wait_dma2 semaphore(%arg12 : memref<!tpu.dma_semaphore, #tpu.memory_space<semaphore_mem>>) src(%arg8 : memref<640x64xf32, #tpu.memory_space<vmem>>) dst(%dma_wait3A_27 : memref<640x64xf32, #tpu.memory_space<hbm>>)
    return
  }
}

</mosaic_0001>

<sc_bundles>
// kernel: kernel.4.cloned.1.call-start
scs
__scs_entry_jumppad:
0x0: {  	(pc) =	sbr.rel $0x88, $3  }
0x1: {  	(tag) =	ssettag $0x0;
	lr =	simm.s32 $0x1  }
0x2: {  	[smem:$0x3F9F] =	sst lr;
	_ =	strace $0xD0000000  }
0x3: {  	_ = 	snop  }
0x4: {  	_ = 	snop  }
0x5: {  	_ = 	snop  }
0x6: {  	_ = 	snop  }
0x7: {  	_ = 	snop  }
__scs_overlays_trampoline_lowered:
0x8: {  	[smem:$0x3FAE] =	sst s0  }
0x9: {  	[smem:$0x3FAF] =	sst s1  }
0xa: {  	[smem:$0x3FB0] =	sst s2  }
0xb: {  	[smem:$0x3FB1] =	sst s3  }
0xc: {  	[smem:$0x3FB2] =	sst s4  }
0xd: {  	[smem:$0x3FB3] =	sst s5  }
0xe: {  	[smem:$0x3FB4] =	sst s6  }
0xf: {  	[smem:$0x3FB5] =	sst s7  }
0x10: {  	[smem:$0x3FB6] =	sst s8  }
0x11: {  	[smem:$0x3FB7] =	sst s9;
	s0 =	simm.s32 @!p0 $0x0  }
0x12: {  	s1 =	sld [smem:$0x3F9D];
	s0 =	simm.s32 @p0 $0x1  }
0x13: {  	[smem:$0x3FB8] =	sst s0;
	s0 =	simm.s32 @!p1 $0x0  }
0x14: {  	s2 =	sld [smem:$0x3F9C];
	s0 =	simm.s32 @p1 $0x1  }
0x15: {  	[smem:$0x3FB9] =	sst s0;
	s0 =	simm.s32 @!p2 $0x0  }
0x16: {  	s3 =	sld [smem:$0x3FDB];
	s0 =	simm.s32 @p2 $0x1  }
0x17: {  	s4 =	simm.s32 $0x1BF5;
	[smem:$0x3FBB] =	sst s0  }
0x18: {  	s0 =	sld [smem:$0x3F9E];
	_ =	swait.ge [sflag:s4], $0x0  }
0x19: {  	s7 =	sld [smem:$0x3F9F]  }
0x1a: {  	s8 =	sadd.s32 $0xFFFFE003, lr  }
0x1b: {  	s9 =	sadd.s32 $0xFFFFFEF7, lr;
	s5 =	simm.s32 $0xFFFFFFFF;
	p2 =	slt.u32 s8, $0xFFFFF086  }
0x1c: {  	p1 =	slt.u32 s9, $0xF7A;
	s5 =	simm.s32 @!p2 $0x0  }
0x1d: {  	s5 =	simm.s32 @p1 $0x1;
	p0 =	seq.s32 s7, s2  }
0x1e: {  	s7 =	smul.u32 @!p0 $0xF7A, s2;
	p2 =	seq.s32 @!p0 s5, $0x0  }
0x1f: {  	s9 =	smul.u32 $0xF7A, s1;
	s8 =	simm.s32 @!p0 $0x1BF5;
	p2 =	por !p2, p0  }
0x20: {  	[sflag:s8] =	ssyncset.s32 @!p0 $0xFFFFF086;
	s6 =	sadd.s32 @!p0 s3, s7;
	s7 =	simm.s32 @!p0 $0x108  }
0x21: {  	s3 =	sadd.s32 s3, s9;
	s6 =	sadd.s32 @!p0 $0x88, s6;
	s7 =	simm.s32 @p2 $0x1082  }
0x22: {  	[simem:s7], [sflag:s8] =	dma.local @!p0 [hbm:s6], $0xF7A  }
0x23: {  	s9 =	sor.u32 $0xD0000000, s2;
	s6 =	simm.s32 $0x108;
	_ =	swait.ge @!p0 [sflag:s8], $0x0  }
0x24: {  	s3 =	sadd.s32 $0x88, s3;
	s6 =	simm.s32 @!p1 $0x1082;
	[sflag:s4] =	ssyncset.s32 $0xFFFFF086  }
0x25: {  	[simem:s6], [sflag:s4] =	dma.local [hbm:s3], $0xF7A  }
0x26: {  	[smem:$0x3F9F] =	sst s1;
	(tag) =	ssettag s2;
	_ =	strace s9  }
0x27: {  	s1 =	sld [smem:$0x3FAF]  }
0x28: {  	s2 =	sld [smem:$0x3FB0]  }
0x29: {  	s4 =	sld [smem:$0x3FB2]  }
0x2a: {  	p0 =	seq.s32 s5, $0x0;
	s5 =	sld [smem:$0x3FB3]  }
0x2b: {  	s6 =	sld [smem:$0x3FB4]  }
0x2c: {  	s7 =	sld [smem:$0x3FB5]  }
0x2d: {  	s3 =	simm.s32 $0x108;
	s8 =	sld [smem:$0x3FB6]  }
0x2e: {  	s3 =	simm.s32 @!p0 $0x1082;
	s9 =	sld [smem:$0x3FB7]  }
0x2f: {  	lr =	sadd.s32 s0, s3;
	s0 =	sld [smem:$0x3FAE]  }
0x30: {  	s3 =	sld [smem:$0x3FB1]  }
0x31: {  	[smem:$0x3FBA] =	sst s10  }
0x32: {  	s10 =	sld [smem:$0x3FB8];
	_ =	sdelay $0x3  }
0x33: {  	p0 =	seq.s32 s10, $0x1;
	s10 =	sld [smem:$0x3FBA];
	_ =	sdelay $0x3  }
0x34: {  	[smem:$0x3FBA] =	sst s10  }
0x35: {  	s10 =	sld [smem:$0x3FB9];
	_ =	sdelay $0x3  }
0x36: {  	p1 =	seq.s32 s10, $0x1;
	s10 =	sld [smem:$0x3FBA];
	_ =	sdelay $0x3  }
0x37: {  	[smem:$0x3FBA] =	sst s10  }
0x38: {  	s10 =	sld [smem:$0x3FBB]  }
0x39: {  	_ = 	snop;
	(pc) =	sbr.ind lr, $3  }
0x3a: {  	_ = 	snop  }
0x3b: {  	_ = 	snop  }
0x3c: {  	p2 =	seq.s32 s10, $0x1;
	s10 =	sld [smem:$0x3FBA]  }
0x3d: {  	_ =	shalt  }
0x3e: {  	_ =	shalt  }
0x3f: {  	_ =	shalt  }
0x40: {  	_ =	shalt  }
0x41: {  	_ =	shalt  }
0x42: {  	_ =	shalt  }
0x43: {  	_ =	shalt  }
0x44: {  	_ =	shalt  }
0x45: {  	_ =	shalt  }
0x46: {  	_ =	shalt  }
0x47: {  	_ =	shalt  }
0x48: {  	_ =	shalt  }
0x49: {  	_ =	shalt  }
0x4a: {  	_ =	shalt  }
0x4b: {  	_ =	shalt  }
0x4c: {  	_ =	shalt  }
0x4d: {  	_ =	shalt  }
0x4e: {  	_ =	shalt  }
0x4f: {  	_ =	shalt  }
0x50: {  	_ =	shalt  }
0x51: {  	_ =	shalt  }
0x52: {  	_ =	shalt  }
0x53: {  	_ =	shalt  }
0x54: {  	_ =	shalt  }
0x55: {  	_ =	shalt  }
0x56: {  	_ =	shalt  }
0x57: {  	_ =	shalt  }
0x58: {  	_ =	shalt  }
0x59: {  	_ =	shalt  }
0x5a: {  	_ =	shalt  }
0x5b: {  	_ =	shalt  }
0x5c: {  	_ =	shalt  }
0x5d: {  	_ =	shalt  }
0x5e: {  	_ =	shalt  }
0x5f: {  	_ =	shalt  }
0x60: {  	_ =	shalt  }
0x61: {  	_ =	shalt  }
0x62: {  	_ =	shalt  }
0x63: {  	_ =	shalt  }
0x64: {  	_ =	shalt  }
0x65: {  	_ =	shalt  }
0x66: {  	_ =	shalt  }
0x67: {  	_ =	shalt  }
0x68: {  	_ =	shalt  }
0x69: {  	_ =	shalt  }
0x6a: {  	_ =	shalt  }
0x6b: {  	_ =	shalt  }
0x6c: {  	_ =	shalt  }
0x6d: {  	_ =	shalt  }
0x6e: {  	_ =	shalt  }
0x6f: {  	_ =	shalt  }
0x70: {  	_ =	shalt  }
0x71: {  	_ =	shalt  }
0x72: {  	_ =	shalt  }
0x73: {  	_ =	shalt  }
0x74: {  	_ =	shalt  }
0x75: {  	_ =	shalt  }
0x76: {  	_ =	shalt  }
0x77: {  	_ =	shalt  }
0x78: {  	_ =	shalt  }
0x79: {  	_ =	shalt  }
0x7a: {  	_ =	shalt  }
0x7b: {  	_ =	shalt  }
0x7c: {  	_ =	shalt  }
0x7d: {  	_ =	shalt  }
0x7e: {  	_ =	shalt  }
0x7f: {  	_ =	shalt  }
0x80: {  	_ =	shalt  }
0x81: {  	_ =	shalt  }
0x82: {  	_ =	shalt  }
0x83: {  	_ =	shalt  }
0x84: {  	_ =	shalt  }
0x85: {  	_ =	shalt  }
0x86: {  	_ =	shalt  }
0x87: {  	_ =	shalt  }
.Lfunc_end0:
.L_simem_size_0:
called_computation.1_lowered:
.L_overlay_start_0:
0x88: {  	s2 =	sld [smem:$0x3FD9]  }
0x89: {  	s3 =	sld [smem:$0x3FFE];
	_ =	sdelay $0x1  }
0x8a: {  	s1 =	srdreg.scid  }
0x8b: {  	s0 =	sand.u32 $0x1, s1  }
0x8c: {  	s17 =	sshll.u32 s0, $0xA;
	s2 =	sadd.s32 s3, s2  }
0x8d: {  	s2 =	sadd.s32 s2, s17  }
0x8e: {  	[smem:$0x3FC6] =	sst s2  }
0x8f: {  	_ = 	snop  }
0x90: {  	(tm) =	ssettm $0x1  }
0x91: {  	s18 =	sld [smem:$0x3FFB];
	_ =	sdelay $0x3  }
0x92: {  	_ =	strace s18  }
0x93: {  	s2 =	sld [smem:$0x3FFC];
	_ =	sdelay $0x3  }
0x94: {  	_ =	strace s2  }
0x95: {  	s2 =	sld [smem:$0x3FFD];
	_ =	sdelay $0x3  }
0x96: {  	_ =	strace s2  }
0x97: {  	_ =	strace $0x8FFFFFFF  }
0x98: {  	s19 =	sld [smem:$0x3FDB];
	_ =	sdelay $0x1  }
0x99: {  	s20 =	simm.s32 $_scs_section_size  }
0x9a: {  	s4 =	simm.s32 $_size__tile_overlayer_lowered;
	s5 =	simm.s32 $_tile_overlayer_lowered  }
0x9b: {  	s6 =	simm.s32 $0x1BFF;
	s21 =	sshll.u32 s5, $0x1;
	s3 =	sadd.s32 s20, s19  }
0x9c: {  	s22 =	simm.s32 $0x0;
	s4 =	sshll.u32 s4, $0x1;
	s5 =	sadd.s32 s21, s3  }
0x9d: {  	[timem:s22], [sflag:s6] =	dma.local [hbm:s5], s4  }
0x9e: {  	_ =	swait.ge [sflag:s6], s4  }
0x9f: {  	s4 =	ssub.s32 $0x0, s4;
	[sflag:s6] =	ssyncset.done $0x0  }
0xa0: {  	[sflag:s6] =	ssyncadd.s32 s4;
	_ =	sdelay $0x1  }
0xa1: {  	s23 =	simm.s32 $0x1B8B  }
0xa2: {  	_ =	swait.ge [sflag:s23], $0x1  }
0xa3: {  	[sflag:s23] =	ssyncset.done $0x0  }
0xa4: {  	[sflag:s23] =	ssyncadd.s32 $0xFFFFFFFF  }
0xa5: {  	s4 =	sld [smem:$0x0]  }
0xa6: {  	s5 =	sand.u32 $0xFFFFFFFE, s1  }
0xa7: {  	p0 =	sne.s32 s1, s5  }
0xa8: {  	s5 =	sshll.u32 @p0 s5, $0xE  }
0xa9: {  	s5 =	sadd.s32 @p0 $0x11B8D, s5;
	s6 =	sshll.u32 @p0 s4, $0x11  }
0xaa: {  	s5 =	sor.u32 @p0 s6, s5  }
0xab: {  	[sflag:s5] =	ssyncadd.remote.s32 @p0 $0x1;
	_ =	sdelay $0x1  }
0xac: {  	s5 =	simm.s32 @p0 $0x1B8D  }
0xad: {  	_ =	swait.eq @p0 [sflag:s5], $0x1  }
0xae: {  	[sflag:s5] =	ssyncadd.s32 @p0 $0xFFFFFFFF  }
0xaf: {  	s6 =	sshll.u32 @!p0 s1, $0xE  }
0xb0: {  	s6 =	sor.u32 @!p0 $0x4000, s6;
	s5 =	simm.s32 @!p0 $0x1B8D  }
0xb1: {  	s4 =	sshll.u32 @!p0 s4, $0x11;
	s6 =	sadd.s32 @!p0 $0x11B8D, s6;
	_ =	swait.eq @!p0 [sflag:s5], $0x1  }
0xb2: {  	s4 =	sor.u32 @!p0 s4, s6;
	[sflag:s5] =	ssyncadd.s32 @!p0 $0xFFFFFFFF  }
0xb3: {  	s25 =	simm.s32 $0x1B8E;
	s24 =	sld [smem:$0x3FFE];
	[sflag:s4] =	ssyncadd.remote.s32 @!p0 $0x1  }
0xb4: {  	s26 =	simm.s32 $execute0_lowered;
	[smem:$0x3FD2] =	sst s25  }
0xb5: {  	s5 =	sshll.u32 s26, $0x1;
	_ =	strace $0x80000049;
	[dreg:$0x1] =	wrdreg $0xFFFFFFFF  }
0xb6: {  	s28 =	simm.s32 $_size_execute0_lowered;
	s3 =	sadd.s32 s3, s5;
	[dreg:$0x0] =	wrdreg $0x0  }
0xb7: {  	s5 =	sshll.u32 s28, $0x1;
	[dreg:$0x2] =	wrdreg s3  }
0xb8: {  	[dreg:$0x3] =	wrdreg s5  }
0xb9: {  	[dreg:$0x4] =	wrdreg $0xC0  }
0xba: {  	_ =	task [dreg:s22], $0x5FFFF  }
0xbb: {  	[dreg:$0x1] =	wrdreg $0xFFFFFFFF  }
0xbc: {  	[dreg:$0x0] =	wrdreg $0x60  }
0xbd: {  	[dreg:$0x2] =	wrdreg s24  }
0xbe: {  	[dreg:$0x3] =	wrdreg $0x9  }
0xbf: {  	_ =	task.clear_ibuf [dreg:s22], $0x4FFFF;
	_ =	strace $0x90000049  }
0xc0: {  	s29 =	simm.s32 $0x9;
	_ =	strace $0x8000004B  }
0xc1: {  	_ =	swait.ge [sflag:s29], $0x1  }
0xc2: {  	[sflag:s29] =	ssyncadd.s32 $0xFFFFFFFF  }
0xc3: {  	_ =	strace $0x9000004B  }
0xc4: {  	_ =	sfence  }
0xc5: {  	s30 =	sld [smem:$0x0];
	_ =	sdelay $0x2  }
0xc6: {  	s31 =	sshll.u32 s1, $0xD;
	s1 =	sshrl.u32 s1, $0x2  }
0xc7: {  	s4 =	sand.u32 $0x4000, s31;
	s1 =	sadd.s32 s1, s30  }
0xc8: {  	s0 =	sor.u32 s4, s0;
	s1 =	sshll.u32 s1, $0x11  }
0xc9: {  	s0 =	sor.u32 s1, s0  }
0xca: {  	s0 =	sadd.s32 $0x8F2B, s0  }
0xcb: {  	[sflag:s0] =	ssyncadd.remote.s32 $0x1  }
0xcc: {  	_ =	sfence.sel $0xFFFF  }
0xcd: {  	[dreg:$0x0] =	wrdreg $0xFFFFFFFF;
	(pc) =	sbr.abs _section_cstart, $3  }
0xce: {  	[dreg:$0x1] =	wrdreg $0xFFFFFFFF  }
0xcf: {  	_ =	task.clear_ibuf [dreg:s22], $0x2FFFF;
	_ =	strace $0x9FFFFFFF  }
0xd0: {  	(tm) =	ssettm $0x7FFFFFFF  }
0xd1: {  	_ =	shalt  }
tec
execute0_lowered:
.L_overlay_start_1:
0x0: {  	(tag) =	ssettag $0x1  }
0x1: {  	s0 =	srdreg.scid  }
0x2: {  	s11 =	stileid.u32;
	s1 =	rddreg [dreg:$0x0];
	s2 =	simm.s32 $0x0  }
0x3: {  	s24 =	simm.s32 $0x2500;
	s25 =	simm.s32 $0x100;
	s26 =	simm.s32 $0x4500  }
0x4: {  	s28 =	simm.s32 $0x180;
	s30 =	simm.s32 $0x6500;
	s31 =	simm.s32 $0x200  }
0x5: {  	s12 =	simm.s32 $0x500;
	s13 =	simm.s32 $0x8500;
	s14 =	simm.s32 $0x1  }
0x6: {  	s15 =	simm.s32 $0x6;
	s29 =	simm.s32 $0x0;
	s4 =	sand.u32 $0x1, s0  }
0x7: {  	s16 =	sshll.u32 s11, $0x1;
	[smem:$0x7FF] =	sst s2;
	s6 =	sadd.s32 $0x321000, s1  }
0x8: {  	s8 =	smul.u32 $0xC80, s11;
	_ =	strace $0x8000004A;
	[dreg:$0x3] =	wrdreg s24  }
0x9: {  	s3 =	sadd.s32 $0xF43400, s1;
	s10 =	smul.u32 $0xC8, s11;
	[dreg:$0x4] =	wrdreg s25  }
0xa: {  	s1 =	sadd.s32 $0x32D800, s1;
	s23 =	smul.u32 $0x32000, s11;
	[dreg:$0x5] =	wrdreg s26  }
0xb: {  	s11 =	simm.s32 $0x80;
	s17 =	smul.u32 $0x64, s4;
	[dreg:$0x6] =	wrdreg s28  }
0xc: {  	s0 =	sor.u32 s4, s16;
	s18 =	smul.u32 $0x640, s4;
	[dreg:$0x7] =	wrdreg s30  }
0xd: {  	s7 =	ssub.s32 $0x2, s4;
	s4 =	smul.u32 $0x19000, s4;
	[dreg:$0x8] =	wrdreg s31  }
0xe: {  	s16 =	simm.s32 $0xA500;
	s24 =	simm.s32 $0x12500;
	s5 =	smul.u32 $0x640, s0  }
0xf: {  	s25 =	simm.s32 $0x2;
	s0 =	smul.u32 $0x3200, s0;
	s9 =	sshrl.u32 s7, $0x1  }
0x10: {  	s19 =	sadd.s32 s8, s6;
	s7 =	ssub.s32 s7, s9;
	s20 =	sadd.s32 s17, s10  }
0x11: {  	s9 =	simm.s32 $0x280;
	s10 =	simm.s32 $0x5;
	s17 =	simm.s32 $0x300  }
0x12: {  	s0 =	sshrl.u32 s0, $0x3;
	s5 =	sadd.s32 s6, s5;
	s7 =	smax.u32 s7, $0x1  }
0x13: {  	s21 =	sshll.u32 s20, $0xA;
	s20 =	simm.s32 $0xE500;
	[dreg:$0x9] =	wrdreg s5  }
0x14: {  	s0 =	sadd.s32 s6, s0;
	[dreg:$0xb] =	wrdreg s7;
	s22 =	sadd.s32 s1, s21  }
0x15: {  	s1 =	sadd.s32 s23, s1;
	s21 =	simm.s32 $0x400;
	s0 =	sadd.s32 $0x50, s0  }
0x16: {  	s23 =	simm.s32 $0x480;
	s8 =	sadd.s32 s4, s1;
	[dreg:$0xa] =	wrdreg s0  }
0x17: {  	s0 =	sadd.s32 s18, s19;
	s18 =	simm.s32 $0xC500;
	s19 =	simm.s32 $0x380  }
0x18: {  	[dreg:$0x2] =	wrdreg s0;
	s0 =	sadd.s32 $0x1400, s22;
	s22 =	simm.s32 $0x10500  }
.LBB2_1:
0x19: {  	s1 =	rddreg [dreg:$0x9]  }
0x1a: {  	[tilespmem:s2], [sflag:$0x5] =	stream.linear.gather [hbm4b:s1+s2], $0x280, $0x38;
	[tilespmem:$0x14500] =	vst v63  }
0x1b: {  	s6 =	rddreg [dreg:$0xa]  }
0x1c: {  	[tilespmem:s9], [sflag:$0x6] =	stream.linear.gather [hbm4b:s6+s2], $0x280, $0x38;
	[tilespmem:$0x14500] =	vst v63  }
0x1d: {  	_ =	swait.ge [sflag:s10], $0x280  }
0x1e: {  	p0 =	por $0x1, $0x1;
	[sflag:s10] =	ssyncset.done $0x0  }
0x1f: {  	s1 =	simm.s32 @!p0 $0x3;
	[sflag:s10] =	ssyncadd.s32 $0xFFFFFD80  }
0x20: {  	_ =	swait.ge @!p0 [sflag:s1], $0xA000  }
0x21: {  	s4 =	rddreg [dreg:$0x4];
	[sflag:s1] =	ssyncset.done @!p0 $0x0  }
0x22: {  	s5 =	rddreg [dreg:$0x3];
	[sflag:s1] =	ssyncadd.s32 @!p0 $0xFFFF6000  }
0x23: {  	[tilespmem:s12], [sflag:$0x1] =	stream.indirect.gather [hbm4b:s3+s11], $0x40, s2, s11, $0xb8;
	[tilespmem:$0x14500] =	vst v63  }
0x24: {  	s7 =	rddreg [dreg:$0x5]  }
0x25: {  	[tilespmem:s5], [sflag:$0x1] =	stream.indirect.gather [hbm4b:s3+s11], $0x40, s11, s11, $0xb8;
	[tilespmem:$0x14500] =	vst v63  }
0x26: {  	s6 =	rddreg [dreg:$0x7]  }
0x27: {  	[tilespmem:s7], [sflag:$0x1] =	stream.indirect.gather [hbm4b:s3+s11], $0x40, s4, s11, $0xb8;
	[tilespmem:$0x14500] =	vst v63  }
0x28: {  	s26 =	rddreg [dreg:$0x6]  }
0x29: {  	[tilespmem:s6], [sflag:$0x1] =	stream.indirect.gather [hbm4b:s3+s11], $0x40, s26, s11, $0xb8;
	[tilespmem:$0x14500] =	vst v63  }
0x2a: {  	s28 =	rddreg [dreg:$0x8]  }
0x2b: {  	[tilespmem:s13], [sflag:$0x1] =	stream.indirect.gather [hbm4b:s3+s11], $0x40, s28, s11, $0xb8;
	[tilespmem:$0x14500] =	vst v63  }
0x2c: {  	_ =	swait.ge [sflag:s14], $0x2000  }
0x2d: {  	[sflag:s14] =	ssyncset.done $0x0  }
0x2e: {  	[sflag:s14] =	ssyncadd.s32 $0xFFFFE000  }
0x2f: {  	_ =	swait.ge [sflag:s14], $0x2000  }
0x30: {  	[sflag:s14] =	ssyncset.done $0x0  }
0x31: {  	[sflag:s14] =	ssyncadd.s32 $0xFFFFE000  }
0x32: {  	_ =	swait.ge [sflag:s14], $0x2000  }
0x33: {  	[sflag:s14] =	ssyncset.done $0x0  }
0x34: {  	[sflag:s14] =	ssyncadd.s32 $0xFFFFE000  }
0x35: {  	_ =	swait.ge [sflag:s14], $0x2000  }
0x36: {  	[sflag:s14] =	ssyncset.done $0x0  }
0x37: {  	[sflag:s14] =	ssyncadd.s32 $0xFFFFE000  }
0x38: {  	_ =	swait.ge [sflag:s14], $0x2000  }
0x39: {  	p1 =	por $0x0, $0x0;
	s1 =	rddreg [dreg:$0x2]  }
0x3a: {  	[sflag:s14] =	ssyncset.done $0x0;
	s1 =	sadd.s32 @!p1 $0x0, s1  }
0x3b: {  	s4 =	simm.s32 @!p1 $0x0;
	[sflag:s14] =	ssyncadd.s32 $0xFFFFE000;
	s5 =	sadd.s32 @!p1 $0xA0, s1  }
0x3c: {  	[tilespmem:s4], [sflag:$0x5] =	stream.linear.gather @!p1 [hbm4b:s5+s4], $0x280, $0x38;
	[tilespmem:$0x14500] =	vst v63  }
0x3d: {  	_ = 	snop  }
0x3e: {  	[hbm4b:s8+s2] =	stream.linear.scatter [tilespmem:s12], [sflag:$0x3], $0xA000, $0x38;
	[tilespmem:$0x14500] =	vst v63  }
0x3f: {  	_ =	swait.ge [sflag:s15], $0x280  }
0x40: {  	[sflag:s15] =	ssyncset.done $0x0  }
0x41: {  	s5 =	simm.s32 @!p0 $0x4;
	[sflag:s15] =	ssyncadd.s32 $0xFFFFFD80  }
0x42: {  	_ =	swait.ge @!p0 [sflag:s5], $0xA000  }
0x43: {  	[sflag:s5] =	ssyncset.done @!p0 $0x0  }
0x44: {  	[sflag:s5] =	ssyncadd.s32 @!p0 $0xFFFF6000  }
0x45: {  	[tilespmem:s16], [sflag:$0x2] =	stream.indirect.gather [hbm4b:s3+s11], $0x40, s9, s11, $0xb8;
	[tilespmem:$0x14500] =	vst v63  }
0x46: {  	_ = 	snop  }
0x47: {  	[tilespmem:s18], [sflag:$0x2] =	stream.indirect.gather [hbm4b:s3+s11], $0x40, s17, s11, $0xb8;
	[tilespmem:$0x14500] =	vst v63  }
0x48: {  	_ = 	snop  }
0x49: {  	[tilespmem:s20], [sflag:$0x2] =	stream.indirect.gather [hbm4b:s3+s11], $0x40, s19, s11, $0xb8;
	[tilespmem:$0x14500] =	vst v63  }
0x4a: {  	_ = 	snop  }
0x4b: {  	[tilespmem:s22], [sflag:$0x2] =	stream.indirect.gather [hbm4b:s3+s11], $0x40, s21, s11, $0xb8;
	[tilespmem:$0x14500] =	vst v63  }
0x4c: {  	_ = 	snop  }
0x4d: {  	[tilespmem:s24], [sflag:$0x2] =	stream.indirect.gather [hbm4b:s3+s11], $0x40, s23, s11, $0xb8;
	[tilespmem:$0x14500] =	vst v63  }
0x4e: {  	_ =	swait.ge [sflag:s25], $0x2000  }
0x4f: {  	[sflag:s25] =	ssyncset.done $0x0  }
0x50: {  	[sflag:s25] =	ssyncadd.s32 $0xFFFFE000  }
0x51: {  	_ =	swait.ge [sflag:s25], $0x2000  }
0x52: {  	[sflag:s25] =	ssyncset.done $0x0  }
0x53: {  	[sflag:s25] =	ssyncadd.s32 $0xFFFFE000  }
0x54: {  	_ =	swait.ge [sflag:s25], $0x2000  }
0x55: {  	[sflag:s25] =	ssyncset.done $0x0  }
0x56: {  	[sflag:s25] =	ssyncadd.s32 $0xFFFFE000  }
0x57: {  	_ =	swait.ge [sflag:s25], $0x2000  }
0x58: {  	[sflag:s25] =	ssyncset.done $0x0  }
0x59: {  	[sflag:s25] =	ssyncadd.s32 $0xFFFFE000  }
0x5a: {  	s30 =	simm.s32 $0xA0;
	s31 =	sadd.s32 $0x2800, s0;
	_ =	swait.ge [sflag:s25], $0x2000  }
0x5b: {  	s7 =	smov.u32 s0;
	s6 =	simm.s32 @!p1 $0x280;
	[sflag:s25] =	ssyncset.done $0x0  }
0x5c: {  	s5 =	sadd.s32 @!p1 $0xF0, s1;
	s1 =	sadd.s32 $0x2800, s8;
	[sflag:s25] =	ssyncadd.s32 $0xFFFFE000  }
.LBB2_2:
0x5d: {  	[tilespmem:s6], [sflag:$0x6] =	stream.linear.gather @!p1 [hbm4b:s5+s4], $0x280, $0x38;
	[tilespmem:$0x14500] =	vst v63  }
0x5e: {  	_ = 	snop  }
0x5f: {  	[hbm4b:s7+s2] =	stream.linear.scatter [tilespmem:s16], [sflag:$0x4], $0xA000, $0x38;
	[tilespmem:$0x14500] =	vst v63  }
0x60: {  	s4 =	smov.u32 s30;
	_ =	swait.ge [sflag:s10], $0x280  }
0x61: {  	p2 =	seq.s32 s4, $0x0;
	[sflag:s10] =	ssyncset.done $0x0  }
0x62: {  	s5 =	simm.s32 @!p2 $0x3;
	[sflag:s10] =	ssyncadd.s32 $0xFFFFFD80  }
0x63: {  	_ =	swait.ge @!p2 [sflag:s5], $0xA000  }
0x64: {  	s6 =	rddreg [dreg:$0x4];
	[sflag:s5] =	ssyncset.done @!p2 $0x0  }
0x65: {  	s26 =	rddreg [dreg:$0x3];
	[sflag:s5] =	ssyncadd.s32 @!p2 $0xFFFF6000  }
0x66: {  	[tilespmem:s12], [sflag:$0x1] =	stream.indirect.gather [hbm4b:s3+s11], $0x40, s2, s11, $0xb8;
	[tilespmem:$0x14500] =	vst v63  }
0x67: {  	s28 =	rddreg [dreg:$0x7]  }
0x68: {  	[tilespmem:s26], [sflag:$0x1] =	stream.indirect.gather [hbm4b:s3+s11], $0x40, s11, s11, $0xb8;
	[tilespmem:$0x14500] =	vst v63  }
0x69: {  	s5 =	rddreg [dreg:$0x5]  }
0x6a: {  	[tilespmem:s5], [sflag:$0x1] =	stream.indirect.gather [hbm4b:s3+s11], $0x40, s6, s11, $0xb8;
	[tilespmem:$0x14500] =	vst v63  }
0x6b: {  	s26 =	rddreg [dreg:$0x6]  }
0x6c: {  	[tilespmem:s28], [sflag:$0x1] =	stream.indirect.gather [hbm4b:s3+s11], $0x40, s26, s11, $0xb8;
	[tilespmem:$0x14500] =	vst v63  }
0x6d: {  	s6 =	rddreg [dreg:$0x8]  }
0x6e: {  	[tilespmem:s13], [sflag:$0x1] =	stream.indirect.gather [hbm4b:s3+s11], $0x40, s6, s11, $0xb8;
	[tilespmem:$0x14500] =	vst v63  }
0x6f: {  	_ =	swait.ge [sflag:s14], $0x2000  }
0x70: {  	[sflag:s14] =	ssyncset.done $0x0  }
0x71: {  	[sflag:s14] =	ssyncadd.s32 $0xFFFFE000  }
0x72: {  	_ =	swait.ge [sflag:s14], $0x2000  }
0x73: {  	[sflag:s14] =	ssyncset.done $0x0  }
0x74: {  	[sflag:s14] =	ssyncadd.s32 $0xFFFFE000  }
0x75: {  	_ =	swait.ge [sflag:s14], $0x2000  }
0x76: {  	[sflag:s14] =	ssyncset.done $0x0  }
0x77: {  	[sflag:s14] =	ssyncadd.s32 $0xFFFFE000  }
0x78: {  	_ =	swait.ge [sflag:s14], $0x2000  }
0x79: {  	[sflag:s14] =	ssyncset.done $0x0  }
0x7a: {  	[sflag:s14] =	ssyncadd.s32 $0xFFFFE000  }
0x7b: {  	_ =	swait.ge [sflag:s14], $0x2000  }
0x7c: {  	p1 =	seq.s32 s4, $0x5A0;
	s5 =	rddreg [dreg:$0x2]  }
0x7d: {  	[sflag:s14] =	ssyncset.done $0x0;
	s5 =	sadd.s32 @!p1 s4, s5  }
0x7e: {  	[sflag:s14] =	ssyncadd.s32 $0xFFFFE000;
	s4 =	simm.s32 @!p1 $0x0;
	s6 =	sadd.s32 @!p1 $0xA0, s5  }
0x7f: {  	[tilespmem:s4], [sflag:$0x5] =	stream.linear.gather @!p1 [hbm4b:s6+s4], $0x280, $0x38;
	[tilespmem:$0x14500] =	vst v63  }
0x80: {  	_ = 	snop  }
0x81: {  	[hbm4b:s1+s2] =	stream.linear.scatter [tilespmem:s12], [sflag:$0x3], $0xA000, $0x38;
	[tilespmem:$0x14500] =	vst v63  }
0x82: {  	_ =	swait.ge [sflag:s15], $0x280  }
0x83: {  	[sflag:s15] =	ssyncset.done $0x0  }
0x84: {  	s6 =	simm.s32 @!p2 $0x4;
	[sflag:s15] =	ssyncadd.s32 $0xFFFFFD80  }
0x85: {  	_ =	swait.ge @!p2 [sflag:s6], $0xA000  }
0x86: {  	[sflag:s6] =	ssyncset.done @!p2 $0x0  }
0x87: {  	[sflag:s6] =	ssyncadd.s32 @!p2 $0xFFFF6000  }
0x88: {  	[tilespmem:s16], [sflag:$0x2] =	stream.indirect.gather [hbm4b:s3+s11], $0x40, s9, s11, $0xb8;
	[tilespmem:$0x14500] =	vst v63  }
0x89: {  	_ = 	snop  }
0x8a: {  	[tilespmem:s18], [sflag:$0x2] =	stream.indirect.gather [hbm4b:s3+s11], $0x40, s17, s11, $0xb8;
	[tilespmem:$0x14500] =	vst v63  }
0x8b: {  	_ = 	snop  }
0x8c: {  	[tilespmem:s20], [sflag:$0x2] =	stream.indirect.gather [hbm4b:s3+s11], $0x40, s19, s11, $0xb8;
	[tilespmem:$0x14500] =	vst v63  }
0x8d: {  	_ = 	snop  }
0x8e: {  	[tilespmem:s22], [sflag:$0x2] =	stream.indirect.gather [hbm4b:s3+s11], $0x40, s21, s11, $0xb8;
	[tilespmem:$0x14500] =	vst v63  }
0x8f: {  	_ = 	snop  }
0x90: {  	[tilespmem:s24], [sflag:$0x2] =	stream.indirect.gather [hbm4b:s3+s11], $0x40, s23, s11, $0xb8;
	[tilespmem:$0x14500] =	vst v63  }
0x91: {  	_ =	swait.ge [sflag:s25], $0x2000  }
0x92: {  	[sflag:s25] =	ssyncset.done $0x0  }
0x93: {  	[sflag:s25] =	ssyncadd.s32 $0xFFFFE000  }
0x94: {  	_ =	swait.ge [sflag:s25], $0x2000  }
0x95: {  	[sflag:s25] =	ssyncset.done $0x0  }
0x96: {  	[sflag:s25] =	ssyncadd.s32 $0xFFFFE000  }
0x97: {  	_ =	swait.ge [sflag:s25], $0x2000  }
0x98: {  	[sflag:s25] =	ssyncset.done $0x0  }
0x99: {  	s30 =	sadd.s32 $0xA0, s30;
	[sflag:s25] =	ssyncadd.s32 $0xFFFFE000  }
0x9a: {  	p0 =	sne.s32 s30, $0x640;
	_ =	swait.ge [sflag:s25], $0x2000  }
.Ltmp0:
0x9b: {  	[sflag:s25] =	ssyncset.done $0x0;
	(pc) =	sbr.rel @p0 .LBB2_2-.Ltmp0, $4  }
0x9c: {  	[sflag:s25] =	ssyncadd.s32 $0xFFFFE000  }
0x9d: {  	s7 =	smov.u32 s31;
	_ =	swait.ge [sflag:s25], $0x2000  }
0x9e: {  	s31 =	sadd.s32 $0x2800, s31;
	s5 =	sadd.s32 @!p1 $0xF0, s5;
	[sflag:s25] =	ssyncset.done $0x0  }
0x9f: {  	s1 =	sadd.s32 $0x2800, s1;
	s6 =	simm.s32 @!p1 $0x280;
	[sflag:s25] =	ssyncadd.s32 $0xFFFFE000  }
0xa0: {  	[tilespmem:s6], [sflag:$0x6] =	stream.linear.gather @!p1 [hbm4b:s5+s4], $0x280, $0x38;
	[tilespmem:$0x14500] =	vst v63  }
0xa1: {  	s1 =	simm.s32 $0x3  }
0xa2: {  	[hbm4b:s7+s2] =	stream.linear.scatter [tilespmem:s16], [sflag:$0x4], $0xA000, $0x38;
	[tilespmem:$0x14500] =	vst v63  }
0xa3: {  	_ =	swait.ge [sflag:s1], $0xA000  }
0xa4: {  	[sflag:s1] =	ssyncset.done $0x0  }
0xa5: {  	s30 =	simm.s32 $0x4;
	[sflag:s1] =	ssyncadd.s32 $0xFFFF6000  }
0xa6: {  	_ =	swait.ge [sflag:s30], $0xA000  }
0xa7: {  	s29 =	sadd.s32 $0x1, s29;
	s31 =	rddreg [dreg:$0xb]  }
0xa8: {  	p0 =	sne.s32 s29, s31  }
.Ltmp1:
0xa9: {  	_ = 	snop;
	(pc) =	sbr.rel @p0 .LBB2_1-.Ltmp1, $3  }
0xaa: {  	_ =	sdelay $0x1  }
0xab: {  	[sflag:s30] =	ssyncset.done $0x0  }
0xac: {  	[sflag:s30] =	ssyncadd.s32 $0xFFFF6000  }
0xad: {  	_ =	sfence.sel $0x180000  }
0xae: {  	[bflag:$0x0] =	sbarrier.arrive $0xFFFF  }
0xaf: {  	_ =	strace $0x9000004A  }
0xb0: {  	s0 =	stileid.u32;
	[bflag:$0x2] =	sbarrier.arrive $0xFFFF  }
0xb1: {  	p0 =	sne.s32 s0, $0x0;
	s0 =	rddreg [dreg:$0x1]  }
0xb2: {  	s0 =	sadd.s32 @!p0 $0x100000, s0  }
0xb3: {  	[sflag:s0] =	ssyncadd.tile.s32 @!p0 $0x1;
	_ =	shalt  }
.Lfunc_end2:
_tile_overlayer_lowered:
.L_overlay_start_2:
0xb4: {  	(tag) =	ssettag $0x2  }
0xb5: {  	s0 =	rddreg [dreg:$0x0];
	s2 =	stileid.u32  }
0xb6: {  	s1 =	rddreg [dreg:$0x1];
	p0 =	sne.s32 s2, $0x0  }
0xb7: {  	s3 =	rddreg [dreg:$0x2];
	[bflag:$0x3] =	sbarrier.arrive $0xFFFF;
	s2 =	simm.s32 @!p0 $0x1C07  }
0xb8: {  	[timem:s3], [sflag:s2] =	dma.local @!p0 [hbm:s0], s1  }
0xb9: {  	s0 =	simm.s32 @!p0 $0x7  }
0xba: {  	_ =	swait.ge @!p0 [sflag:s0], s1  }
0xbb: {  	s1 =	ssub.s32 @!p0 $0x0, s1;
	[sflag:s0] =	ssyncset.done @!p0 $0x0  }
0xbc: {  	[sflag:s0] =	ssyncadd.s32 @!p0 s1  }
0xbd: {  	[bflag:$0x3] =	sbarrier.arrive $0xFFFF  }
0xbe: {  	_ =	shalt  }

// kernel: kernel.7.cloned.1.call-start
scs
__scs_entry_jumppad:
0x0: {  	(pc) =	sbr.rel $0x88, $3  }
0x1: {  	(tag) =	ssettag $0x0;
	lr =	simm.s32 $0x1  }
0x2: {  	[smem:$0x3F9F] =	sst lr;
	_ =	strace $0xD0000000  }
0x3: {  	_ = 	snop  }
0x4: {  	_ = 	snop  }
0x5: {  	_ = 	snop  }
0x6: {  	_ = 	snop  }
0x7: {  	_ = 	snop  }
__scs_overlays_trampoline_lowered:
0x8: {  	[smem:$0x3FAE] =	sst s0  }
0x9: {  	[smem:$0x3FAF] =	sst s1  }
0xa: {  	[smem:$0x3FB0] =	sst s2  }
0xb: {  	[smem:$0x3FB1] =	sst s3  }
0xc: {  	[smem:$0x3FB2] =	sst s4  }
0xd: {  	[smem:$0x3FB3] =	sst s5  }
0xe: {  	[smem:$0x3FB4] =	sst s6  }
0xf: {  	[smem:$0x3FB5] =	sst s7  }
0x10: {  	[smem:$0x3FB6] =	sst s8  }
0x11: {  	[smem:$0x3FB7] =	sst s9;
	s0 =	simm.s32 @!p0 $0x0  }
0x12: {  	s1 =	sld [smem:$0x3F9D];
	s0 =	simm.s32 @p0 $0x1  }
0x13: {  	[smem:$0x3FB8] =	sst s0;
	s0 =	simm.s32 @!p1 $0x0  }
0x14: {  	s2 =	sld [smem:$0x3F9C];
	s0 =	simm.s32 @p1 $0x1  }
0x15: {  	[smem:$0x3FB9] =	sst s0;
	s0 =	simm.s32 @!p2 $0x0  }
0x16: {  	s3 =	sld [smem:$0x3FDB];
	s0 =	simm.s32 @p2 $0x1  }
0x17: {  	s4 =	simm.s32 $0x1BF5;
	[smem:$0x3FBB] =	sst s0  }
0x18: {  	s0 =	sld [smem:$0x3F9E];
	_ =	swait.ge [sflag:s4], $0x0  }
0x19: {  	s7 =	sld [smem:$0x3F9F]  }
0x1a: {  	s8 =	sadd.s32 $0xFFFFE003, lr  }
0x1b: {  	s9 =	sadd.s32 $0xFFFFFEF7, lr;
	s5 =	simm.s32 $0xFFFFFFFF;
	p2 =	slt.u32 s8, $0xFFFFF086  }
0x1c: {  	p1 =	slt.u32 s9, $0xF7A;
	s5 =	simm.s32 @!p2 $0x0  }
0x1d: {  	s5 =	simm.s32 @p1 $0x1;
	p0 =	seq.s32 s7, s2  }
0x1e: {  	s7 =	smul.u32 @!p0 $0xF7A, s2;
	p2 =	seq.s32 @!p0 s5, $0x0  }
0x1f: {  	s9 =	smul.u32 $0xF7A, s1;
	s8 =	simm.s32 @!p0 $0x1BF5;
	p2 =	por !p2, p0  }
0x20: {  	[sflag:s8] =	ssyncset.s32 @!p0 $0xFFFFF086;
	s6 =	sadd.s32 @!p0 s3, s7;
	s7 =	simm.s32 @!p0 $0x108  }
0x21: {  	s3 =	sadd.s32 s3, s9;
	s6 =	sadd.s32 @!p0 $0x88, s6;
	s7 =	simm.s32 @p2 $0x1082  }
0x22: {  	[simem:s7], [sflag:s8] =	dma.local @!p0 [hbm:s6], $0xF7A  }
0x23: {  	s9 =	sor.u32 $0xD0000000, s2;
	s6 =	simm.s32 $0x108;
	_ =	swait.ge @!p0 [sflag:s8], $0x0  }
0x24: {  	s3 =	sadd.s32 $0x88, s3;
	s6 =	simm.s32 @!p1 $0x1082;
	[sflag:s4] =	ssyncset.s32 $0xFFFFF086  }
0x25: {  	[simem:s6], [sflag:s4] =	dma.local [hbm:s3], $0xF7A  }
0x26: {  	[smem:$0x3F9F] =	sst s1;
	(tag) =	ssettag s2;
	_ =	strace s9  }
0x27: {  	s1 =	sld [smem:$0x3FAF]  }
0x28: {  	s2 =	sld [smem:$0x3FB0]  }
0x29: {  	s4 =	sld [smem:$0x3FB2]  }
0x2a: {  	p0 =	seq.s32 s5, $0x0;
	s5 =	sld [smem:$0x3FB3]  }
0x2b: {  	s6 =	sld [smem:$0x3FB4]  }
0x2c: {  	s7 =	sld [smem:$0x3FB5]  }
0x2d: {  	s3 =	simm.s32 $0x108;
	s8 =	sld [smem:$0x3FB6]  }
0x2e: {  	s3 =	simm.s32 @!p0 $0x1082;
	s9 =	sld [smem:$0x3FB7]  }
0x2f: {  	lr =	sadd.s32 s0, s3;
	s0 =	sld [smem:$0x3FAE]  }
0x30: {  	s3 =	sld [smem:$0x3FB1]  }
0x31: {  	[smem:$0x3FBA] =	sst s10  }
0x32: {  	s10 =	sld [smem:$0x3FB8];
	_ =	sdelay $0x3  }
0x33: {  	p0 =	seq.s32 s10, $0x1;
	s10 =	sld [smem:$0x3FBA];
	_ =	sdelay $0x3  }
0x34: {  	[smem:$0x3FBA] =	sst s10  }
0x35: {  	s10 =	sld [smem:$0x3FB9];
	_ =	sdelay $0x3  }
0x36: {  	p1 =	seq.s32 s10, $0x1;
	s10 =	sld [smem:$0x3FBA];
	_ =	sdelay $0x3  }
0x37: {  	[smem:$0x3FBA] =	sst s10  }
0x38: {  	s10 =	sld [smem:$0x3FBB]  }
0x39: {  	_ = 	snop;
	(pc) =	sbr.ind lr, $3  }
0x3a: {  	_ = 	snop  }
0x3b: {  	_ = 	snop  }
0x3c: {  	p2 =	seq.s32 s10, $0x1;
	s10 =	sld [smem:$0x3FBA]  }
0x3d: {  	_ =	shalt  }
0x3e: {  	_ =	shalt  }
0x3f: {  	_ =	shalt  }
0x40: {  	_ =	shalt  }
0x41: {  	_ =	shalt  }
0x42: {  	_ =	shalt  }
0x43: {  	_ =	shalt  }
0x44: {  	_ =	shalt  }
0x45: {  	_ =	shalt  }
0x46: {  	_ =	shalt  }
0x47: {  	_ =	shalt  }
0x48: {  	_ =	shalt  }
0x49: {  	_ =	shalt  }
0x4a: {  	_ =	shalt  }
0x4b: {  	_ =	shalt  }
0x4c: {  	_ =	shalt  }
0x4d: {  	_ =	shalt  }
0x4e: {  	_ =	shalt  }
0x4f: {  	_ =	shalt  }
0x50: {  	_ =	shalt  }
0x51: {  	_ =	shalt  }
0x52: {  	_ =	shalt  }
0x53: {  	_ =	shalt  }
0x54: {  	_ =	shalt  }
0x55: {  	_ =	shalt  }
0x56: {  	_ =	shalt  }
0x57: {  	_ =	shalt  }
0x58: {  	_ =	shalt  }
0x59: {  	_ =	shalt  }
0x5a: {  	_ =	shalt  }
0x5b: {  	_ =	shalt  }
0x5c: {  	_ =	shalt  }
0x5d: {  	_ =	shalt  }
0x5e: {  	_ =	shalt  }
0x5f: {  	_ =	shalt  }
0x60: {  	_ =	shalt  }
0x61: {  	_ =	shalt  }
0x62: {  	_ =	shalt  }
0x63: {  	_ =	shalt  }
0x64: {  	_ =	shalt  }
0x65: {  	_ =	shalt  }
0x66: {  	_ =	shalt  }
0x67: {  	_ =	shalt  }
0x68: {  	_ =	shalt  }
0x69: {  	_ =	shalt  }
0x6a: {  	_ =	shalt  }
0x6b: {  	_ =	shalt  }
0x6c: {  	_ =	shalt  }
0x6d: {  	_ =	shalt  }
0x6e: {  	_ =	shalt  }
0x6f: {  	_ =	shalt  }
0x70: {  	_ =	shalt  }
0x71: {  	_ =	shalt  }
0x72: {  	_ =	shalt  }
0x73: {  	_ =	shalt  }
0x74: {  	_ =	shalt  }
0x75: {  	_ =	shalt  }
0x76: {  	_ =	shalt  }
0x77: {  	_ =	shalt  }
0x78: {  	_ =	shalt  }
0x79: {  	_ =	shalt  }
0x7a: {  	_ =	shalt  }
0x7b: {  	_ =	shalt  }
0x7c: {  	_ =	shalt  }
0x7d: {  	_ =	shalt  }
0x7e: {  	_ =	shalt  }
0x7f: {  	_ =	shalt  }
0x80: {  	_ =	shalt  }
0x81: {  	_ =	shalt  }
0x82: {  	_ =	shalt  }
0x83: {  	_ =	shalt  }
0x84: {  	_ =	shalt  }
0x85: {  	_ =	shalt  }
0x86: {  	_ =	shalt  }
0x87: {  	_ =	shalt  }
.Lfunc_end0:
.L_simem_size_0:
called_computation.2_lowered:
.L_overlay_start_0:
0x88: {  	s2 =	sld [smem:$0x3FD9]  }
0x89: {  	s3 =	sld [smem:$0x3FFE];
	_ =	sdelay $0x1  }
0x8a: {  	s1 =	srdreg.scid  }
0x8b: {  	s0 =	sand.u32 $0x1, s1  }
0x8c: {  	s17 =	sshll.u32 s0, $0xA;
	s2 =	sadd.s32 s3, s2  }
0x8d: {  	s2 =	sadd.s32 s2, s17  }
0x8e: {  	[smem:$0x3FC6] =	sst s2  }
0x8f: {  	_ = 	snop  }
0x90: {  	s2 =	sld [smem:$0x3FD0];
	(tm) =	ssettm $0x1  }
0x91: {  	s18 =	sld [smem:$0x3FFB];
	_ =	sdelay $0x3  }
0x92: {  	_ =	strace s18  }
0x93: {  	s3 =	sld [smem:$0x3FFC];
	_ =	sdelay $0x3  }
0x94: {  	_ =	strace s3  }
0x95: {  	s3 =	sld [smem:$0x3FFD];
	_ =	sdelay $0x3  }
0x96: {  	_ =	strace s3  }
0x97: {  	_ =	strace $0x8FFFFFFF  }
0x98: {  	s19 =	sld [smem:$0x3FDB];
	_ =	sdelay $0x1  }
0x99: {  	s4 =	simm.s32 $_scs_section_size  }
0x9a: {  	s5 =	simm.s32 $_size__tile_overlayer_lowered;
	s6 =	simm.s32 $_tile_overlayer_lowered  }
0x9b: {  	s22 =	simm.s32 $0x1BFF;
	s21 =	sshll.u32 s6, $0x1;
	s3 =	sadd.s32 s4, s19  }
0x9c: {  	s7 =	simm.s32 $0x0;
	s20 =	sshll.u32 s5, $0x1;
	s5 =	sadd.s32 s21, s3  }
0x9d: {  	[timem:s7], [sflag:s22] =	dma.local [hbm:s5], s20  }
0x9e: {  	_ =	swait.ge [sflag:s22], s20  }
0x9f: {  	s4 =	ssub.s32 $0x0, s20;
	[sflag:s22] =	ssyncset.done $0x0  }
0xa0: {  	[sflag:s22] =	ssyncadd.s32 s4;
	_ =	sdelay $0x1  }
0xa1: {  	s23 =	simm.s32 $0x1B8B  }
0xa2: {  	_ =	swait.ge [sflag:s23], $0x1  }
0xa3: {  	[sflag:s23] =	ssyncset.done $0x0  }
0xa4: {  	s25 =	simm.s32 $0x1B8E;
	s24 =	sld [smem:$0x3FFE];
	[sflag:s23] =	ssyncadd.s32 $0xFFFFFFFF  }
0xa5: {  	s26 =	simm.s32 $execute0_lowered;
	[smem:$0x3FD2] =	sst s25  }
0xa6: {  	s5 =	sshll.u32 s26, $0x1;
	_ =	strace $0x80000046;
	[dreg:$0x1] =	wrdreg $0xFFFFFFFF  }
0xa7: {  	s28 =	simm.s32 $_size_execute0_lowered;
	s3 =	sadd.s32 s3, s5;
	[dreg:$0x0] =	wrdreg $0x0  }
0xa8: {  	s5 =	sshll.u32 s28, $0x1;
	[dreg:$0x2] =	wrdreg s3  }
0xa9: {  	[dreg:$0x3] =	wrdreg s5  }
0xaa: {  	[dreg:$0x4] =	wrdreg $0xC0  }
0xab: {  	_ =	task [dreg:s7], $0x5FFFF  }
0xac: {  	[dreg:$0x1] =	wrdreg $0xFFFFFFFF  }
0xad: {  	[dreg:$0x0] =	wrdreg $0x60  }
0xae: {  	[dreg:$0x2] =	wrdreg s2  }
0xaf: {  	[dreg:$0x3] =	wrdreg s24  }
0xb0: {  	[dreg:$0x4] =	wrdreg $0xA  }
0xb1: {  	_ =	task.clear_ibuf [dreg:s7], $0x5FFFF;
	_ =	strace $0x90000046  }
0xb2: {  	s29 =	simm.s32 $0xA;
	_ =	strace $0x80000048  }
0xb3: {  	_ =	swait.ge [sflag:s29], $0x1  }
0xb4: {  	[sflag:s29] =	ssyncadd.s32 $0xFFFFFFFF  }
0xb5: {  	_ =	strace $0x90000048  }
0xb6: {  	_ =	sfence  }
0xb7: {  	s30 =	sld [smem:$0x0];
	_ =	sdelay $0x2  }
0xb8: {  	s31 =	sshll.u32 s1, $0xD;
	s1 =	sshrl.u32 s1, $0x2  }
0xb9: {  	s3 =	sand.u32 $0x4000, s31;
	s1 =	sadd.s32 s1, s30  }
0xba: {  	s0 =	sor.u32 s3, s0;
	s1 =	sshll.u32 s1, $0x11  }
0xbb: {  	s0 =	sor.u32 s1, s0  }
0xbc: {  	s0 =	sadd.s32 $0x8F2B, s0  }
0xbd: {  	[sflag:s0] =	ssyncadd.remote.s32 $0x1  }
0xbe: {  	_ =	sfence.sel $0xFFFF  }
0xbf: {  	[dreg:$0x0] =	wrdreg $0xFFFFFFFF;
	(pc) =	sbr.abs _section_cstart, $3  }
0xc0: {  	[dreg:$0x1] =	wrdreg $0xFFFFFFFF  }
0xc1: {  	_ =	task.clear_ibuf [dreg:s7], $0x2FFFF;
	_ =	strace $0x9FFFFFFF  }
0xc2: {  	(tm) =	ssettm $0x7FFFFFFF  }
0xc3: {  	_ =	shalt  }
tec
execute0_lowered:
.L_overlay_start_1:
0x0: {  	(tag) =	ssettag $0x1  }
0x1: {  	s0 =	rddreg [dreg:$0x0];
	s1 =	srdreg.scid  }
0x2: {  	s11 =	stileid.u32;
	s4 =	rddreg [dreg:$0x1]  }
0x3: {  	s2 =	simm.s32 $0x0;
	s24 =	simm.s32 $0x2500;
	s25 =	simm.s32 $0x100  }
0x4: {  	s26 =	simm.s32 $0x4500;
	s28 =	simm.s32 $0x180;
	s30 =	simm.s32 $0x6500  }
0x5: {  	s31 =	simm.s32 $0x200;
	s12 =	simm.s32 $0x500;
	s13 =	simm.s32 $0x8500  }
0x6: {  	s14 =	simm.s32 $0x1;
	s15 =	simm.s32 $0x6;
	s16 =	simm.s32 $0xA500  }
0x7: {  	s17 =	simm.s32 $0x300;
	s29 =	simm.s32 $0x0;
	[smem:$0x7FF] =	sst s2  }
0x8: {  	s8 =	smul.u32 $0xC80, s11;
	_ =	strace $0x80000047;
	[dreg:$0x4] =	wrdreg s24  }
0x9: {  	s1 =	sand.u32 $0x1, s1;
	s10 =	smul.u32 $0xC8, s11;
	[dreg:$0x5] =	wrdreg s25  }
0xa: {  	s3 =	sshll.u32 s11, $0x1;
	s23 =	smul.u32 $0x32000, s11;
	[dreg:$0x6] =	wrdreg s26  }
0xb: {  	s11 =	simm.s32 $0x80;
	s18 =	smul.u32 $0x64, s1;
	[dreg:$0x7] =	wrdreg s28  }
0xc: {  	s3 =	sor.u32 s1, s3;
	s20 =	smul.u32 $0x640, s1;
	[dreg:$0x8] =	wrdreg s30  }
0xd: {  	s7 =	ssub.s32 $0x2, s1;
	s1 =	smul.u32 $0x19000, s1;
	[dreg:$0x9] =	wrdreg s31  }
0xe: {  	s24 =	simm.s32 $0x12500;
	s25 =	simm.s32 $0x2;
	s5 =	smul.u32 $0x640, s3  }
0xf: {  	s6 =	smul.u32 $0x3200, s3;
	s3 =	sadd.s32 $0xF43400, s4;
	s9 =	sshrl.u32 s7, $0x1  }
0x10: {  	s4 =	sadd.s32 $0x1000, s4;
	s7 =	ssub.s32 s7, s9;
	s21 =	sadd.s32 s18, s10  }
0x11: {  	s9 =	simm.s32 $0x280;
	s10 =	simm.s32 $0x5;
	s18 =	simm.s32 $0xC500  }
0x12: {  	s6 =	sshrl.u32 s6, $0x3;
	s5 =	sadd.s32 s0, s5;
	s7 =	smax.u32 s7, $0x1  }
0x13: {  	[dreg:$0xa] =	wrdreg s5;
	s19 =	sadd.s32 s0, s6;
	s0 =	sadd.s32 s8, s0  }
0x14: {  	[dreg:$0xc] =	wrdreg s7;
	s5 =	sadd.s32 $0x50, s19;
	s0 =	sadd.s32 s20, s0  }
0x15: {  	s19 =	simm.s32 $0x380;
	s20 =	simm.s32 $0xE500;
	[dreg:$0xb] =	wrdreg s5  }
0x16: {  	s5 =	sshll.u32 s21, $0xA;
	[dreg:$0x3] =	wrdreg s0;
	s21 =	simm.s32 $0x400  }
0x17: {  	s22 =	sadd.s32 s4, s5;
	s4 =	sadd.s32 s23, s4;
	s23 =	simm.s32 $0x480  }
0x18: {  	s0 =	sadd.s32 $0x1400, s22;
	s8 =	sadd.s32 s1, s4;
	s22 =	simm.s32 $0x10500  }
.LBB2_1:
0x19: {  	s1 =	rddreg [dreg:$0xa]  }
0x1a: {  	[tilespmem:s2], [sflag:$0x5] =	stream.linear.gather [hbm4b:s1+s2], $0x280, $0x38;
	[tilespmem:$0x14500] =	vst v63  }
0x1b: {  	s6 =	rddreg [dreg:$0xb]  }
0x1c: {  	[tilespmem:s9], [sflag:$0x6] =	stream.linear.gather [hbm4b:s6+s2], $0x280, $0x38;
	[tilespmem:$0x14500] =	vst v63  }
0x1d: {  	_ =	swait.ge [sflag:s10], $0x280  }
0x1e: {  	p0 =	por $0x1, $0x1;
	[sflag:s10] =	ssyncset.done $0x0  }
0x1f: {  	s1 =	simm.s32 @!p0 $0x3;
	[sflag:s10] =	ssyncadd.s32 $0xFFFFFD80  }
0x20: {  	_ =	swait.ge @!p0 [sflag:s1], $0xA000  }
0x21: {  	s4 =	rddreg [dreg:$0x5];
	[sflag:s1] =	ssyncset.done @!p0 $0x0  }
0x22: {  	s5 =	rddreg [dreg:$0x4];
	[sflag:s1] =	ssyncadd.s32 @!p0 $0xFFFF6000  }
0x23: {  	[tilespmem:s12], [sflag:$0x1] =	stream.indirect.gather [hbm4b:s3+s11], $0x40, s2, s11, $0xb8;
	[tilespmem:$0x14500] =	vst v63  }
0x24: {  	s7 =	rddreg [dreg:$0x6]  }
0x25: {  	[tilespmem:s5], [sflag:$0x1] =	stream.indirect.gather [hbm4b:s3+s11], $0x40, s11, s11, $0xb8;
	[tilespmem:$0x14500] =	vst v63  }
0x26: {  	s6 =	rddreg [dreg:$0x8]  }
0x27: {  	[tilespmem:s7], [sflag:$0x1] =	stream.indirect.gather [hbm4b:s3+s11], $0x40, s4, s11, $0xb8;
	[tilespmem:$0x14500] =	vst v63  }
0x28: {  	s26 =	rddreg [dreg:$0x7]  }
0x29: {  	[tilespmem:s6], [sflag:$0x1] =	stream.indirect.gather [hbm4b:s3+s11], $0x40, s26, s11, $0xb8;
	[tilespmem:$0x14500] =	vst v63  }
0x2a: {  	s28 =	rddreg [dreg:$0x9]  }
0x2b: {  	[tilespmem:s13], [sflag:$0x1] =	stream.indirect.gather [hbm4b:s3+s11], $0x40, s28, s11, $0xb8;
	[tilespmem:$0x14500] =	vst v63  }
0x2c: {  	_ =	swait.ge [sflag:s14], $0x2000  }
0x2d: {  	[sflag:s14] =	ssyncset.done $0x0  }
0x2e: {  	[sflag:s14] =	ssyncadd.s32 $0xFFFFE000  }
0x2f: {  	_ =	swait.ge [sflag:s14], $0x2000  }
0x30: {  	[sflag:s14] =	ssyncset.done $0x0  }
0x31: {  	[sflag:s14] =	ssyncadd.s32 $0xFFFFE000  }
0x32: {  	_ =	swait.ge [sflag:s14], $0x2000  }
0x33: {  	[sflag:s14] =	ssyncset.done $0x0  }
0x34: {  	[sflag:s14] =	ssyncadd.s32 $0xFFFFE000  }
0x35: {  	_ =	swait.ge [sflag:s14], $0x2000  }
0x36: {  	[sflag:s14] =	ssyncset.done $0x0  }
0x37: {  	[sflag:s14] =	ssyncadd.s32 $0xFFFFE000  }
0x38: {  	_ =	swait.ge [sflag:s14], $0x2000  }
0x39: {  	p1 =	por $0x0, $0x0;
	s1 =	rddreg [dreg:$0x3]  }
0x3a: {  	[sflag:s14] =	ssyncset.done $0x0;
	s1 =	sadd.s32 @!p1 $0x0, s1  }
0x3b: {  	s4 =	simm.s32 @!p1 $0x0;
	[sflag:s14] =	ssyncadd.s32 $0xFFFFE000;
	s5 =	sadd.s32 @!p1 $0xA0, s1  }
0x3c: {  	[tilespmem:s4], [sflag:$0x5] =	stream.linear.gather @!p1 [hbm4b:s5+s4], $0x280, $0x38;
	[tilespmem:$0x14500] =	vst v63  }
0x3d: {  	_ = 	snop  }
0x3e: {  	[hbm4b:s8+s2] =	stream.linear.scatter [tilespmem:s12], [sflag:$0x3], $0xA000, $0x38;
	[tilespmem:$0x14500] =	vst v63  }
0x3f: {  	_ =	swait.ge [sflag:s15], $0x280  }
0x40: {  	[sflag:s15] =	ssyncset.done $0x0  }
0x41: {  	s5 =	simm.s32 @!p0 $0x4;
	[sflag:s15] =	ssyncadd.s32 $0xFFFFFD80  }
0x42: {  	_ =	swait.ge @!p0 [sflag:s5], $0xA000  }
0x43: {  	[sflag:s5] =	ssyncset.done @!p0 $0x0  }
0x44: {  	[sflag:s5] =	ssyncadd.s32 @!p0 $0xFFFF6000  }
0x45: {  	[tilespmem:s16], [sflag:$0x2] =	stream.indirect.gather [hbm4b:s3+s11], $0x40, s9, s11, $0xb8;
	[tilespmem:$0x14500] =	vst v63  }
0x46: {  	_ = 	snop  }
0x47: {  	[tilespmem:s18], [sflag:$0x2] =	stream.indirect.gather [hbm4b:s3+s11], $0x40, s17, s11, $0xb8;
	[tilespmem:$0x14500] =	vst v63  }
0x48: {  	_ = 	snop  }
0x49: {  	[tilespmem:s20], [sflag:$0x2] =	stream.indirect.gather [hbm4b:s3+s11], $0x40, s19, s11, $0xb8;
	[tilespmem:$0x14500] =	vst v63  }
0x4a: {  	_ = 	snop  }
0x4b: {  	[tilespmem:s22], [sflag:$0x2] =	stream.indirect.gather [hbm4b:s3+s11], $0x40, s21, s11, $0xb8;
	[tilespmem:$0x14500] =	vst v63  }
0x4c: {  	_ = 	snop  }
0x4d: {  	[tilespmem:s24], [sflag:$0x2] =	stream.indirect.gather [hbm4b:s3+s11], $0x40, s23, s11, $0xb8;
	[tilespmem:$0x14500] =	vst v63  }
0x4e: {  	_ =	swait.ge [sflag:s25], $0x2000  }
0x4f: {  	[sflag:s25] =	ssyncset.done $0x0  }
0x50: {  	[sflag:s25] =	ssyncadd.s32 $0xFFFFE000  }
0x51: {  	_ =	swait.ge [sflag:s25], $0x2000  }
0x52: {  	[sflag:s25] =	ssyncset.done $0x0  }
0x53: {  	[sflag:s25] =	ssyncadd.s32 $0xFFFFE000  }
0x54: {  	_ =	swait.ge [sflag:s25], $0x2000  }
0x55: {  	[sflag:s25] =	ssyncset.done $0x0  }
0x56: {  	[sflag:s25] =	ssyncadd.s32 $0xFFFFE000  }
0x57: {  	_ =	swait.ge [sflag:s25], $0x2000  }
0x58: {  	[sflag:s25] =	ssyncset.done $0x0  }
0x59: {  	[sflag:s25] =	ssyncadd.s32 $0xFFFFE000  }
0x5a: {  	s30 =	simm.s32 $0xA0;
	s31 =	sadd.s32 $0x2800, s0;
	_ =	swait.ge [sflag:s25], $0x2000  }
0x5b: {  	s7 =	smov.u32 s0;
	s6 =	simm.s32 @!p1 $0x280;
	[sflag:s25] =	ssyncset.done $0x0  }
0x5c: {  	s5 =	sadd.s32 @!p1 $0xF0, s1;
	s1 =	sadd.s32 $0x2800, s8;
	[sflag:s25] =	ssyncadd.s32 $0xFFFFE000  }
.LBB2_2:
0x5d: {  	[tilespmem:s6], [sflag:$0x6] =	stream.linear.gather @!p1 [hbm4b:s5+s4], $0x280, $0x38;
	[tilespmem:$0x14500] =	vst v63  }
0x5e: {  	_ = 	snop  }
0x5f: {  	[hbm4b:s7+s2] =	stream.linear.scatter [tilespmem:s16], [sflag:$0x4], $0xA000, $0x38;
	[tilespmem:$0x14500] =	vst v63  }
0x60: {  	s4 =	smov.u32 s30;
	_ =	swait.ge [sflag:s10], $0x280  }
0x61: {  	p2 =	seq.s32 s4, $0x0;
	[sflag:s10] =	ssyncset.done $0x0  }
0x62: {  	s5 =	simm.s32 @!p2 $0x3;
	[sflag:s10] =	ssyncadd.s32 $0xFFFFFD80  }
0x63: {  	_ =	swait.ge @!p2 [sflag:s5], $0xA000  }
0x64: {  	s6 =	rddreg [dreg:$0x5];
	[sflag:s5] =	ssyncset.done @!p2 $0x0  }
0x65: {  	s26 =	rddreg [dreg:$0x4];
	[sflag:s5] =	ssyncadd.s32 @!p2 $0xFFFF6000  }
0x66: {  	[tilespmem:s12], [sflag:$0x1] =	stream.indirect.gather [hbm4b:s3+s11], $0x40, s2, s11, $0xb8;
	[tilespmem:$0x14500] =	vst v63  }
0x67: {  	s28 =	rddreg [dreg:$0x8]  }
0x68: {  	[tilespmem:s26], [sflag:$0x1] =	stream.indirect.gather [hbm4b:s3+s11], $0x40, s11, s11, $0xb8;
	[tilespmem:$0x14500] =	vst v63  }
0x69: {  	s5 =	rddreg [dreg:$0x6]  }
0x6a: {  	[tilespmem:s5], [sflag:$0x1] =	stream.indirect.gather [hbm4b:s3+s11], $0x40, s6, s11, $0xb8;
	[tilespmem:$0x14500] =	vst v63  }
0x6b: {  	s26 =	rddreg [dreg:$0x7]  }
0x6c: {  	[tilespmem:s28], [sflag:$0x1] =	stream.indirect.gather [hbm4b:s3+s11], $0x40, s26, s11, $0xb8;
	[tilespmem:$0x14500] =	vst v63  }
0x6d: {  	s6 =	rddreg [dreg:$0x9]  }
0x6e: {  	[tilespmem:s13], [sflag:$0x1] =	stream.indirect.gather [hbm4b:s3+s11], $0x40, s6, s11, $0xb8;
	[tilespmem:$0x14500] =	vst v63  }
0x6f: {  	_ =	swait.ge [sflag:s14], $0x2000  }
0x70: {  	[sflag:s14] =	ssyncset.done $0x0  }
0x71: {  	[sflag:s14] =	ssyncadd.s32 $0xFFFFE000  }
0x72: {  	_ =	swait.ge [sflag:s14], $0x2000  }
0x73: {  	[sflag:s14] =	ssyncset.done $0x0  }
0x74: {  	[sflag:s14] =	ssyncadd.s32 $0xFFFFE000  }
0x75: {  	_ =	swait.ge [sflag:s14], $0x2000  }
0x76: {  	[sflag:s14] =	ssyncset.done $0x0  }
0x77: {  	[sflag:s14] =	ssyncadd.s32 $0xFFFFE000  }
0x78: {  	_ =	swait.ge [sflag:s14], $0x2000  }
0x79: {  	[sflag:s14] =	ssyncset.done $0x0  }
0x7a: {  	[sflag:s14] =	ssyncadd.s32 $0xFFFFE000  }
0x7b: {  	_ =	swait.ge [sflag:s14], $0x2000  }
0x7c: {  	p1 =	seq.s32 s4, $0x5A0;
	s5 =	rddreg [dreg:$0x3]  }
0x7d: {  	[sflag:s14] =	ssyncset.done $0x0;
	s5 =	sadd.s32 @!p1 s4, s5  }
0x7e: {  	[sflag:s14] =	ssyncadd.s32 $0xFFFFE000;
	s4 =	simm.s32 @!p1 $0x0;
	s6 =	sadd.s32 @!p1 $0xA0, s5  }
0x7f: {  	[tilespmem:s4], [sflag:$0x5] =	stream.linear.gather @!p1 [hbm4b:s6+s4], $0x280, $0x38;
	[tilespmem:$0x14500] =	vst v63  }
0x80: {  	_ = 	snop  }
0x81: {  	[hbm4b:s1+s2] =	stream.linear.scatter [tilespmem:s12], [sflag:$0x3], $0xA000, $0x38;
	[tilespmem:$0x14500] =	vst v63  }
0x82: {  	_ =	swait.ge [sflag:s15], $0x280  }
0x83: {  	[sflag:s15] =	ssyncset.done $0x0  }
0x84: {  	s6 =	simm.s32 @!p2 $0x4;
	[sflag:s15] =	ssyncadd.s32 $0xFFFFFD80  }
0x85: {  	_ =	swait.ge @!p2 [sflag:s6], $0xA000  }
0x86: {  	[sflag:s6] =	ssyncset.done @!p2 $0x0  }
0x87: {  	[sflag:s6] =	ssyncadd.s32 @!p2 $0xFFFF6000  }
0x88: {  	[tilespmem:s16], [sflag:$0x2] =	stream.indirect.gather [hbm4b:s3+s11], $0x40, s9, s11, $0xb8;
	[tilespmem:$0x14500] =	vst v63  }
0x89: {  	_ = 	snop  }
0x8a: {  	[tilespmem:s18], [sflag:$0x2] =	stream.indirect.gather [hbm4b:s3+s11], $0x40, s17, s11, $0xb8;
	[tilespmem:$0x14500] =	vst v63  }
0x8b: {  	_ = 	snop  }
0x8c: {  	[tilespmem:s20], [sflag:$0x2] =	stream.indirect.gather [hbm4b:s3+s11], $0x40, s19, s11, $0xb8;
	[tilespmem:$0x14500] =	vst v63  }
0x8d: {  	_ = 	snop  }
0x8e: {  	[tilespmem:s22], [sflag:$0x2] =	stream.indirect.gather [hbm4b:s3+s11], $0x40, s21, s11, $0xb8;
	[tilespmem:$0x14500] =	vst v63  }
0x8f: {  	_ = 	snop  }
0x90: {  	[tilespmem:s24], [sflag:$0x2] =	stream.indirect.gather [hbm4b:s3+s11], $0x40, s23, s11, $0xb8;
	[tilespmem:$0x14500] =	vst v63  }
0x91: {  	_ =	swait.ge [sflag:s25], $0x2000  }
0x92: {  	[sflag:s25] =	ssyncset.done $0x0  }
0x93: {  	[sflag:s25] =	ssyncadd.s32 $0xFFFFE000  }
0x94: {  	_ =	swait.ge [sflag:s25], $0x2000  }
0x95: {  	[sflag:s25] =	ssyncset.done $0x0  }
0x96: {  	[sflag:s25] =	ssyncadd.s32 $0xFFFFE000  }
0x97: {  	_ =	swait.ge [sflag:s25], $0x2000  }
0x98: {  	[sflag:s25] =	ssyncset.done $0x0  }
0x99: {  	s30 =	sadd.s32 $0xA0, s30;
	[sflag:s25] =	ssyncadd.s32 $0xFFFFE000  }
0x9a: {  	p0 =	sne.s32 s30, $0x640;
	_ =	swait.ge [sflag:s25], $0x2000  }
.Ltmp0:
0x9b: {  	[sflag:s25] =	ssyncset.done $0x0;
	(pc) =	sbr.rel @p0 .LBB2_2-.Ltmp0, $4  }
0x9c: {  	[sflag:s25] =	ssyncadd.s32 $0xFFFFE000  }
0x9d: {  	s7 =	smov.u32 s31;
	_ =	swait.ge [sflag:s25], $0x2000  }
0x9e: {  	s31 =	sadd.s32 $0x2800, s31;
	s5 =	sadd.s32 @!p1 $0xF0, s5;
	[sflag:s25] =	ssyncset.done $0x0  }
0x9f: {  	s1 =	sadd.s32 $0x2800, s1;
	s6 =	simm.s32 @!p1 $0x280;
	[sflag:s25] =	ssyncadd.s32 $0xFFFFE000  }
0xa0: {  	[tilespmem:s6], [sflag:$0x6] =	stream.linear.gather @!p1 [hbm4b:s5+s4], $0x280, $0x38;
	[tilespmem:$0x14500] =	vst v63  }
0xa1: {  	s1 =	simm.s32 $0x3  }
0xa2: {  	[hbm4b:s7+s2] =	stream.linear.scatter [tilespmem:s16], [sflag:$0x4], $0xA000, $0x38;
	[tilespmem:$0x14500] =	vst v63  }
0xa3: {  	_ =	swait.ge [sflag:s1], $0xA000  }
0xa4: {  	[sflag:s1] =	ssyncset.done $0x0  }
0xa5: {  	s30 =	simm.s32 $0x4;
	[sflag:s1] =	ssyncadd.s32 $0xFFFF6000  }
0xa6: {  	_ =	swait.ge [sflag:s30], $0xA000  }
0xa7: {  	s29 =	sadd.s32 $0x1, s29;
	s31 =	rddreg [dreg:$0xc]  }
0xa8: {  	p0 =	sne.s32 s29, s31  }
.Ltmp1:
0xa9: {  	_ = 	snop;
	(pc) =	sbr.rel @p0 .LBB2_1-.Ltmp1, $3  }
0xaa: {  	_ =	sdelay $0x1  }
0xab: {  	[sflag:s30] =	ssyncset.done $0x0  }
0xac: {  	[sflag:s30] =	ssyncadd.s32 $0xFFFF6000  }
0xad: {  	_ =	sfence.sel $0x180000  }
0xae: {  	[bflag:$0x0] =	sbarrier.arrive $0xFFFF  }
0xaf: {  	_ =	strace $0x90000047  }
0xb0: {  	s0 =	stileid.u32;
	[bflag:$0x2] =	sbarrier.arrive $0xFFFF  }
0xb1: {  	p0 =	sne.s32 s0, $0x0;
	s0 =	rddreg [dreg:$0x2]  }
0xb2: {  	s0 =	sadd.s32 @!p0 $0x100000, s0  }
0xb3: {  	[sflag:s0] =	ssyncadd.tile.s32 @!p0 $0x1;
	_ =	shalt  }
.Lfunc_end2:
_tile_overlayer_lowered:
.L_overlay_start_2:
0xb4: {  	(tag) =	ssettag $0x2  }
0xb5: {  	s0 =	rddreg [dreg:$0x0];
	s2 =	stileid.u32  }
0xb6: {  	s1 =	rddreg [dreg:$0x1];
	p0 =	sne.s32 s2, $0x0  }
0xb7: {  	s3 =	rddreg [dreg:$0x2];
	[bflag:$0x3] =	sbarrier.arrive $0xFFFF;
	s2 =	simm.s32 @!p0 $0x1C07  }
0xb8: {  	[timem:s3], [sflag:s2] =	dma.local @!p0 [hbm:s0], s1  }
0xb9: {  	s0 =	simm.s32 @!p0 $0x7  }
0xba: {  	_ =	swait.ge @!p0 [sflag:s0], s1  }
0xbb: {  	s1 =	ssub.s32 @!p0 $0x0, s1;
	[sflag:s0] =	ssyncset.done @!p0 $0x0  }
0xbc: {  	[sflag:s0] =	ssyncadd.s32 @!p0 s1  }
0xbd: {  	[bflag:$0x3] =	sbarrier.arrive $0xFFFF  }
0xbe: {  	_ =	shalt  }

// kernel: sparse-core-data-format-call.cloned.1.call-start
scs
called_computation_lowered:
.L_overlay_start_0:
0x0: {  	s2 =	sld [smem:$0x3FD9]  }
0x1: {  	s3 =	sld [smem:$0x3FFE];
	_ =	sdelay $0x1  }
0x2: {  	s1 =	srdreg.scid  }
0x3: {  	s0 =	sand.u32 $0x1, s1  }
0x4: {  	s18 =	sshll.u32 s0, $0xA;
	s2 =	sadd.s32 s3, s2  }
0x5: {  	s2 =	sadd.s32 s2, s18  }
0x6: {  	[smem:$0x3FC6] =	sst s2  }
0x7: {  	_ = 	snop  }
0x8: {  	s2 =	sld [smem:$0x3FD0];
	(tm) =	ssettm $0x1  }
0x9: {  	s19 =	sld [smem:$0x3FFB];
	_ =	sdelay $0x3  }
0xa: {  	_ =	strace s19  }
0xb: {  	s3 =	sld [smem:$0x3FFC];
	_ =	sdelay $0x3  }
0xc: {  	_ =	strace s3  }
0xd: {  	s3 =	sld [smem:$0x3FFD];
	_ =	sdelay $0x3  }
0xe: {  	_ =	strace s3  }
0xf: {  	_ =	strace $0x8FFFFFFF  }
0x10: {  	s20 =	sld [smem:$0x3FDB];
	_ =	sdelay $0x1  }
0x11: {  	s4 =	simm.s32 $_scs_section_size  }
0x12: {  	s5 =	simm.s32 $_size__tile_overlayer_lowered;
	s6 =	simm.s32 $_tile_overlayer_lowered  }
0x13: {  	s23 =	simm.s32 $0x1BFF;
	s22 =	sshll.u32 s6, $0x1;
	s3 =	sadd.s32 s4, s20  }
0x14: {  	s7 =	simm.s32 $0x0;
	s21 =	sshll.u32 s5, $0x1;
	s5 =	sadd.s32 s22, s3  }
0x15: {  	[timem:s7], [sflag:s23] =	dma.local [hbm:s5], s21  }
0x16: {  	_ =	swait.ge [sflag:s23], s21  }
0x17: {  	s4 =	ssub.s32 $0x0, s21;
	[sflag:s23] =	ssyncset.done $0x0  }
0x18: {  	[sflag:s23] =	ssyncadd.s32 s4;
	_ =	sdelay $0x1  }
0x19: {  	s24 =	simm.s32 $0x1B8B  }
0x1a: {  	_ =	swait.ge [sflag:s24], $0x1  }
0x1b: {  	[sflag:s24] =	ssyncset.done $0x0  }
0x1c: {  	s26 =	simm.s32 $0x1B8E;
	s25 =	sld [smem:$0x3FFE];
	[sflag:s24] =	ssyncadd.s32 $0xFFFFFFFF  }
0x1d: {  	s27 =	simm.s32 $execute0_lowered;
	[smem:$0x3FD2] =	sst s26  }
0x1e: {  	s5 =	sshll.u32 s27, $0x1;
	_ =	strace $0x8000004C;
	[dreg:$0x1] =	wrdreg $0xFFFFFFFF  }
0x1f: {  	s28 =	simm.s32 $_size_execute0_lowered;
	s3 =	sadd.s32 s3, s5;
	[dreg:$0x0] =	wrdreg $0x0  }
0x20: {  	s5 =	sshll.u32 s28, $0x1;
	[dreg:$0x2] =	wrdreg s3  }
0x21: {  	[dreg:$0x3] =	wrdreg s5  }
0x22: {  	[dreg:$0x4] =	wrdreg $0xC0  }
0x23: {  	_ =	task [dreg:s7], $0x5FFFF  }
0x24: {  	[dreg:$0x1] =	wrdreg $0xFFFFFFFF  }
0x25: {  	[dreg:$0x0] =	wrdreg $0x60  }
0x26: {  	[dreg:$0x2] =	wrdreg s25  }
0x27: {  	[dreg:$0x3] =	wrdreg s2  }
0x28: {  	[dreg:$0x4] =	wrdreg $0x9  }
0x29: {  	_ =	task.clear_ibuf [dreg:s7], $0x5FFFF;
	_ =	strace $0x9000004C  }
0x2a: {  	s29 =	simm.s32 $0x9;
	_ =	strace $0x8000004E  }
0x2b: {  	_ =	swait.ge [sflag:s29], $0x1  }
0x2c: {  	[sflag:s29] =	ssyncadd.s32 $0xFFFFFFFF  }
0x2d: {  	_ =	strace $0x9000004E  }
0x2e: {  	_ =	sfence  }
0x2f: {  	s30 =	sld [smem:$0x0];
	_ =	sdelay $0x2  }
0x30: {  	s31 =	sshll.u32 s1, $0xD;
	s1 =	sshrl.u32 s1, $0x2  }
0x31: {  	s3 =	sand.u32 $0x4000, s31;
	s1 =	sadd.s32 s1, s30  }
0x32: {  	s0 =	sor.u32 s3, s0;
	s1 =	sshll.u32 s1, $0x11  }
0x33: {  	s0 =	sor.u32 s1, s0  }
0x34: {  	s0 =	sadd.s32 $0x8F2B, s0  }
0x35: {  	[sflag:s0] =	ssyncadd.remote.s32 $0x1  }
0x36: {  	_ =	sfence.sel $0xFFFF  }
0x37: {  	[dreg:$0x0] =	wrdreg $0xFFFFFFFF;
	(pc) =	sbr.abs _section_cstart, $3  }
0x38: {  	[dreg:$0x1] =	wrdreg $0xFFFFFFFF  }
0x39: {  	_ =	task.clear_ibuf [dreg:s7], $0x2FFFF;
	_ =	strace $0x9FFFFFFF  }
0x3a: {  	(tm) =	ssettm $0x7FFFFFFF  }
0x3b: {  	_ =	shalt  }
tec
execute0_lowered:
.L_overlay_start_1:
0x0: {  	(tag) =	ssettag $0x1  }
0x1: {  	s0 =	srdreg.scid  }
0x2: {  	s1 =	sshll.u32 s0, $0x4  }
0x3: {  	s0 =	stileid.u32;
	s1 =	sand.u32 $0x10, s1  }
0x4: {  	s1 =	sor.u32 s0, s1  }
0x5: {  	s6 =	rddreg [dreg:$0x0];
	s4 =	simm.s32 $0x1;
	s2 =	sshll.u32 s1, $0x7  }
0x6: {  	s7 =	simm.s32 $0x2;
	s12 =	simm.s32 $0x0;
	s1 =	ssub.s32 $0x4000, s2  }
0x7: {  	s8 =	simm.s32 $0x20000;
	s13 =	simm.s32 $0x0;
	s3 =	sand.u32 $0xF80, s1  }
0x8: {  	s9 =	simm.s32 $0x0;
	s5 =	sshrl.u32 s1, $0xC;
	p0 =	sne.s32 s3, $0x0  }
.Ltmp0:
0x9: {  	s1 =	rddreg [dreg:$0x2];
	s4 =	simm.s32 @!p0 $0x0;
	(pc) =	sbr.rel .LBB1_1-.Ltmp0, $4  }
0xa: {  	s11 =	simm.s32 $0x0;
	s3 =	rddreg [dreg:$0x1];
	s5 =	sadd.s32 s4, s5  }
0xb: {  	_ =	strace $0x8000004D;
	s4 =	simm.s32 $0x1;
	s5 =	smul.u32 $0x32, s5  }
0xc: {  	s6 =	sadd.s32 $0x190D800, s6;
	s10 =	smov.u32 s2;
	[sflag:s4] =	ssyncpa.u1 $0x0  }
0xd: {  	p0 =	por $0x0, $0x0;
	[sflag:s7] =	ssyncpa.u1 $0x0;
	s7 =	sor.u32 $0x1, s5  }
.LBB1_4:
0xe: {  	s16 =	sshll.u32 s13, $0x3;
	s17 =	sand.u32 $0x78, s13  }
0xf: {  	s30 =	sand.u32 $0x1F800, s13;
	s12 =	sshll.u32 s12, $0x11;
	s16 =	sand.u32 $0x3C00, s16  }
0x10: {  	[tilespmem:s15+$0x810 ss:$0x81] =	vst.msk $0xffff, v2;
	s31 =	sand.u32 $0x7, s13;
	s16 =	sor.u32 s17, s16;
	s17 =	sadd.s32 s3, s30  }
0x11: {  	[tilespmem:s15+$0x1020 ss:$0x81] =	vst.msk $0xffff, v0;
	s13 =	sshll.u32 s31, $0x12;
	s12 =	sadd.s32 s12, s17;
	s16 =	sshrl.u32 s16, $0x3  }
0x12: {  	[tilespmem:s15+$0x0 ss:$0x81] =	vst.msk $0xffff, v1;
	s13 =	sor.u32 $0x400, s13;
	s12 =	sadd.s32 s16, s12  }
0x13: {  	[hbm4b:s12+s13] =	stream.strided.scatter [tilespmem:s14], [sflag:$0x2], $0x2000, s8, s13, $0x20;
	[tilespmem:$0x8080] =	vst v63  }
.LBB1_5:
0x14: {  	s14 =	sadd.s32 $0x1, s9  }
0x15: {  	s12 =	sadd.s32 $0x1000, s10;
	s16 =	smov.u32 s10;
	p2 =	sgt.s32 s14, $0x31  }
0x16: {  	s16 =	smov.u32 @p2 s12  }
0x17: {  	s14 =	simm.s32 @p2 $0x0;
	p2 =	sgt.s32 s16, $0x3FFF  }
0x18: {  	s16 =	smov.u32 @p2 s2;
	p2 =	sne.s32 s11, s7  }
.Ltmp1:
0x19: {  	p1 =	slt.u32 s11, $0x2;
	(pc) =	sbr.rel @!p2 .LBB1_6-.Ltmp1, $4  }
0x1a: {  	s15 =	simm.s32 @!p1 $0x2  }
0x1b: {  	s13 =	smov.u32 s10;
	p0 =	por !p0, !p0;
	_ =	swait.ge @!p1 [sflag:s15], $0x2000  }
0x1c: {  	s12 =	smov.u32 s9;
	[sflag:s15] =	ssyncset.done @!p1 $0x0;
	s9 =	smov.u32 s14  }
0x1d: {  	s11 =	sadd.s32 $0x1, s11;
	[sflag:s15] =	ssyncadd.s32 @!p1 $0xFFFFE000;
	s10 =	smov.u32 s16  }
.LBB1_1:
0x1e: {  	p1 =	sge.u32 s11, s5  }
0x1f: {  	s14 =	sand.u32 @!p1 $0x1FFFFFF, s9  }
0x20: {  	s15 =	smulhi.u32 @!p1 $0x4924925, s14;
	_ =	sdelay $0x1  }
0x21: {  	s15 =	smul.u32 @!p1 $0x38, s15  }
0x22: {  	s16 =	sxor.u32 @!p1 $0xFFFFFFFF, s11;
	s17 =	smul.u32 @!p1 $0x380, s10  }
0x23: {  	s31 =	sadd.s32 $0xFFFFFFFF, s11;
	s16 =	sshll.u32 @!p1 s16, $0xD;
	s14 =	ssub.s32 @!p1 s14, s15  }
0x24: {  	s15 =	sand.u32 @!p1 $0x2000, s16;
	s16 =	sadd.s32 @!p1 s6, s17;
	s14 =	sshll.u32 @!p1 s14, $0x4  }
0x25: {  	s17 =	simm.s32 @!p1 $0x1C00;
	s14 =	sadd.s32 @!p1 s14, s16;
	s16 =	simm.s32 @!p1 $0x40  }
0x26: {  	[tilespmem:s15], [sflag:$0x1] =	stream.strided.gather @!p1 [hbm4b:s14+s16], $0x2000, s17, s16, $0x38;
	[tilespmem:$0x8080] =	vst v63  }
0x27: {  	p1 =	sge.u32 s31, s5  }
.Ltmp2:
0x28: {  	_ = 	snop;
	(pc) =	sbr.rel @p1 .LBB1_5-.Ltmp2, $1  }
0x29: {  	_ =	sdelay $0x3  }
0x2a: {  	s14 =	simm.s32 $0x1  }
0x2b: {  	_ =	swait.ge [sflag:s4], $0x2000;
	s14 =	simm.s32 @!p0 $0x0  }
0x2c: {  	[sflag:s4] =	ssyncset.done $0x0;
	s15 =	sshll.u32 s14, $0xD  }
0x2d: {  	[sflag:s4] =	ssyncadd.s32 $0xFFFFE000;
	s18 =	sor.u32 $0x20, s15  }
0x2e: {  	s14 =	smul.u32 $0x8100, s14;
	v3 =	vld [tilespmem:s18+$0x10]  }
0x2f: {  	s30 =	sand.u32 $0x1, s11;
	v2 =	vld [tilespmem:s18+$0xFFFFFFF0]  }
0x30: {  	s15 =	smul.u32 $0x8100, s30;
	s14 =	sshrl.u32 s14, $0x2;
	v0 =	vld [tilespmem:s18+$0x0]  }
0x31: {  	v1 =	vld [tilespmem:s18+$0xFFFFFFE0];
	s16 =	sor.u32 $0x4000, s14  }
0x32: {  	s31 =	sshrl.u32 s15, $0x2;
	s15 =	sadd.s32 $0x0, s16  }
0x33: {  	s17 =	simm.s32 $0x4;
	s18 =	sadd.s32 $0x40, s18;
	s14 =	sor.u32 $0x4000, s31;
	[tilespmem:s15+$0x1830 ss:$0x81] =	vst.msk $0xffff, v3  }
.LBB1_3:
0x34: {  	v3 =	vld [tilespmem:s18+$0x10];
	p1 =	sne.s32 s17, $0x1FC;
	[tilespmem:s15+$0x810 ss:$0x81] =	vst.msk $0xffff, v2;
	s19 =	smov.u32 s17;
	s17 =	sadd.s32 $0x4, s17  }
.Ltmp3:
0x35: {  	v2 =	vld [tilespmem:s18+$0xFFFFFFF0];
	[tilespmem:s15+$0x1020 ss:$0x81] =	vst.msk $0xffff, v0;
	(pc) =	sbr.rel @p1 .LBB1_3-.Ltmp3, $4  }
0x36: {  	v0 =	vld [tilespmem:s18+$0x0];
	[tilespmem:s15+$0x0 ss:$0x81] =	vst.msk $0xffff, v1  }
0x37: {  	s15 =	sshra.s32 s19, $0x2;
	v1 =	vld [tilespmem:s18+$0xFFFFFFE0]  }
0x38: {  	s15 =	sadd.s32 s15, s16  }
0x39: {  	s18 =	sadd.s32 $0x40, s18;
	[tilespmem:s15+$0x1830 ss:$0x81] =	vst.msk $0xffff, v3  }
.Ltmp4:
0x3a: {  	_ = 	snop;
	(pc) =	sbr.rel .LBB1_4-.Ltmp4, $1  }
0x3b: {  	_ =	sdelay $0x3  }
.LBB1_6:
0x3c: {  	_ =	sfence.sel $0x180000  }
0x3d: {  	s2 =	simm.s32 $0x1;
	[bflag:$0x0] =	sbarrier.arrive $0xFFFF  }
0x3e: {  	s31 =	simm.s32 $0x2;
	[sflag:s2] =	ssyncpa.u1 $0x1  }
0x3f: {  	[sflag:s31] =	ssyncpa.u1 $0x1  }
0x40: {  	p0 =	sne.s32 s0, $0x0;
	_ =	strace $0x9000004D  }
0x41: {  	s0 =	sadd.s32 @!p0 $0x100000, s1;
	[bflag:$0x2] =	sbarrier.arrive $0xFFFF  }
0x42: {  	[sflag:s0] =	ssyncadd.tile.s32 @!p0 $0x1;
	_ =	shalt  }
.Lfunc_end1:
_tile_overlayer_lowered:
.L_overlay_start_2:
0x43: {  	(tag) =	ssettag $0x2  }
0x44: {  	s0 =	rddreg [dreg:$0x0];
	s2 =	stileid.u32  }
0x45: {  	s1 =	rddreg [dreg:$0x1];
	p0 =	sne.s32 s2, $0x0  }
0x46: {  	s3 =	rddreg [dreg:$0x2];
	[bflag:$0x3] =	sbarrier.arrive $0xFFFF;
	s2 =	simm.s32 @!p0 $0x1C01  }
0x47: {  	[timem:s3], [sflag:s2] =	dma.local @!p0 [hbm:s0], s1  }
0x48: {  	s0 =	simm.s32 @!p0 $0x1  }
0x49: {  	_ =	swait.ge @!p0 [sflag:s0], s1  }
0x4a: {  	s1 =	ssub.s32 @!p0 $0x0, s1;
	[sflag:s0] =	ssyncset.done @!p0 $0x0  }
0x4b: {  	[sflag:s0] =	ssyncadd.s32 @!p0 s1  }
0x4c: {  	[bflag:$0x3] =	sbarrier.arrive $0xFFFF  }
0x4d: {  	_ =	shalt  }

</sc_bundles>
